<compile_context>
chip_gen: v7x
topology: tpu7x:2x2x1
jax: 0.10.2.dev20260603
libtpu: 0.0.44.dev20260713+nightly
codegen_flags: <defaults>
</compile_context>

<pallas_src>
import functools

import jax
import jax.numpy as jnp
from jax import lax
from jax.experimental import pallas as pl
from jax.experimental.pallas import tpu as pltpu
from jax.experimental.pallas import tpu_sc as plsc

NC = 2
NS = 16
NW = NC * NS
NSLOT = 5



def _mm_kernel(x_ref, w_ref, o_ref):
    o_ref[...] = jnp.dot(x_ref[...], w_ref[...],
                         preferred_element_type=jnp.float32)


def _tc_matmul(x, w, bm):
    m, k = x.shape
    n = w.shape[1]
    grid = (m // bm,)
    return pl.pallas_call(
        _mm_kernel,
        grid=grid,
        in_specs=[
            pl.BlockSpec((bm, k), lambda i: (i, 0)),
            pl.BlockSpec((k, n), lambda i: (0, 0)),
        ],
        out_specs=pl.BlockSpec((bm, n), lambda i: (i, 0)),
        out_shape=jax.ShapeDtypeStruct((m, n), jnp.float32),
    )(x, w)


def _mm2_kernel(a_ref, b_ref, w_ref, o_ref):
    o_ref[...] = jnp.dot(a_ref[...] + b_ref[...], w_ref[...],
                         preferred_element_type=jnp.float32)


def _tc_add_matmul(a, b, w, bm):
    m, k = a.shape
    n = w.shape[1]
    grid = (m // bm,)
    return pl.pallas_call(
        _mm2_kernel,
        grid=grid,
        in_specs=[
            pl.BlockSpec((bm, k), lambda i: (i, 0)),
            pl.BlockSpec((bm, k), lambda i: (i, 0)),
            pl.BlockSpec((k, n), lambda i: (0, 0)),
        ],
        out_specs=pl.BlockSpec((bm, n), lambda i: (i, 0)),
        out_shape=jax.ShapeDtypeStruct((m, n), jnp.float32),
    )(a, b, w)


def _zzt_kernel(z_blk_ref, z_all_ref, o_ref):
    o_ref[...] = lax.dot_general(
        z_blk_ref[...], z_all_ref[...],
        dimension_numbers=(((1,), (1,)), ((), ())),
        preferred_element_type=jnp.float32)


def _tc_zzt(z, bm):
    nb, d = z.shape
    grid = (nb // bm,)
    return pl.pallas_call(
        _zzt_kernel,
        grid=grid,
        in_specs=[
            pl.BlockSpec((bm, d), lambda i: (i, 0)),
            pl.BlockSpec((nb, d), lambda i: (0, 0)),
        ],
        out_specs=pl.BlockSpec((bm, nb), lambda i: (i, 0)),
        out_shape=jax.ShapeDtypeStruct((nb, nb), jnp.float32),
    )(z, z)



def _sc_segment_sum(h, src3, dst3, zeros, n_pad, chunk):
    _, n_ch, _ = src3.shape
    d = h.shape[1]
    assert src3.shape == dst3.shape == (NW, n_ch, chunk)
    assert chunk % 8 == 0 and chunk <= 128
    assert n_pad % (NS * 8) == 0
    rows_per_tile = n_pad // NS

    mesh = plsc.VectorSubcoreMesh(core_axis_name="c", subcore_axis_name="s")

    @functools.partial(
        pl.kernel,
        out_type=jax.ShapeDtypeStruct((NC, n_pad, d), jnp.float32),
        mesh=mesh,
        scratch_types=[
            pltpu.VMEM((n_ch, chunk), jnp.int32),
            pltpu.VMEM((n_ch, chunk), jnp.int32),
            pltpu.VMEM((chunk, d), jnp.float32),
            pltpu.VMEM_SHARED((n_pad, d), jnp.float32),
            pltpu.SemaphoreType.DMA,
            pltpu.SemaphoreType.DMA,
        ],
    )
    def seg(h_hbm, src_hbm, dst_hbm, z_hbm, out_hbm, sidx, didx, rows, acc,
            sem, isem):
        c = lax.axis_index("c")
        s = lax.axis_index("s")
        wid = c * NS + s
        row0 = pl.multiple_of(s * rows_per_tile, 8)
        pltpu.async_copy(src_hbm.at[wid], sidx, isem)
        pltpu.async_copy(dst_hbm.at[wid], didx, isem)
        pltpu.sync_copy(z_hbm, acc.at[pl.ds(row0, rows_per_tile)])
        pltpu.make_async_copy(src_hbm.at[wid], sidx, isem).wait()
        pltpu.make_async_copy(dst_hbm.at[wid], didx, isem).wait()
        plsc.subcore_barrier()

        def body(j, carry):
            pltpu.async_copy(h_hbm.at[sidx.at[j]], rows, sem).wait()
            pltpu.sync_copy(rows, acc.at[didx.at[j]], add=True)
            return carry

        lax.fori_loop(0, n_ch, body, 0)
        plsc.subcore_barrier()
        pltpu.sync_copy(acc.at[pl.ds(row0, rows_per_tile)],
                        out_hbm.at[c].at[pl.ds(row0, rows_per_tile)])

    return seg(h, src3, dst3, zeros)



def _sc_segment_sum_filtered(h, src3, dst3, nbatch, zeros, n_pad, chunk):
    _, n_ch, _ = src3.shape
    d = h.shape[1]
    nb_n = nbatch.shape[0]
    assert src3.shape == dst3.shape == (NW, n_ch, chunk)
    assert chunk % 16 == 0 and chunk <= 128 and nb_n % 16 == 0
    assert n_pad % 16 == 0
    nb_pad = nb_n + NS * 8
    assert nb_pad % (NS * 8) == 0
    rows_per_tile = nb_pad // NS
    e_pad = n_ch * chunk
    cpr = chunk // 16
    nb_per_w = nb_n // NW

    mesh = plsc.VectorSubcoreMesh(core_axis_name="c", subcore_axis_name="s")

    @functools.partial(
        pl.kernel,
        out_type=(jax.ShapeDtypeStruct((NC, nb_pad, d), jnp.float32),
                  jax.ShapeDtypeStruct((nb_n,), jnp.int32)),
        mesh=mesh,
        compiler_params=pltpu.CompilerParams(needs_layout_passes=False),
        scratch_types=[
            pltpu.VMEM((n_ch, chunk), jnp.int32),
            pltpu.VMEM((n_ch, chunk), jnp.int32),
            pltpu.VMEM((chunk, d), jnp.float32),
            pltpu.VMEM((n_pad,), jnp.int32),
            pltpu.VMEM((nb_n,), jnp.int32),
            pltpu.VMEM((nb_per_w,), jnp.int32),
            pltpu.VMEM((e_pad + chunk,), jnp.int32),
            pltpu.VMEM((e_pad + chunk,), jnp.int32),
            pltpu.VMEM((chunk,), jnp.int32),
            pltpu.VMEM_SHARED((nb_pad, d), jnp.float32),
            pltpu.SemaphoreType.DMA,
            pltpu.SemaphoreType.DMA,
        ],
    )
    def seg(h_hbm, src_hbm, dst_hbm, nb_hbm, z_hbm, out_hbm, slot_hbm, sidx,
            didx, rows, flag, nbbuf, slbuf, fsrc, fdst, cidx, acc, sem, isem):
        c = lax.axis_index("c")
        s = lax.axis_index("s")
        wid = c * NS + s
        row0 = pl.multiple_of(s * rows_per_tile, 8)
        pltpu.async_copy(src_hbm.at[wid], sidx, isem)
        pltpu.async_copy(dst_hbm.at[wid], didx, isem)
        pltpu.async_copy(nb_hbm, nbbuf, isem)
        pltpu.sync_copy(z_hbm, acc.at[pl.ds(row0, rows_per_tile)])

        zero16 = jnp.zeros((16,), jnp.int32)

        def zf(i, carry):
            flag[pl.ds(i * 16, 16)] = zero16
            return carry

        lax.fori_loop(0, n_pad // 16, zf, 0)
        pltpu.make_async_copy(src_hbm.at[wid], sidx, isem).wait()
        pltpu.make_async_copy(dst_hbm.at[wid], didx, isem).wait()
        pltpu.make_async_copy(nb_hbm, nbbuf, isem).wait()

        iota16 = lax.iota(jnp.int32, 16)

        def mark(i, carry):
            v = nbbuf[pl.ds(i * 16, 16)]
            plsc.store_scatter(flag, [v], i * 16 + iota16 + 1)
            return carry

        lax.fori_loop(0, nb_n // 16, mark, 0)

        nb0 = pl.multiple_of(wid * nb_per_w, 8)
        for k in range(nb_per_w // 16):
            v = nbbuf[pl.ds(nb0 + k * 16, 16)]
            slbuf[pl.ds(k * 16, 16)] = plsc.load_gather(flag, [v]) - 1
        pltpu.sync_copy(slbuf, slot_hbm.at[pl.ds(nb0, nb_per_w)])

        def compact(i, cnt):
            r = i // cpr
            k = i % cpr
            sv = sidx[r, pl.ds(k * 16, 16)]
            dv = didx[r, pl.ds(k * 16, 16)]
            fl = plsc.load_gather(flag, [dv])
            m = fl > 0
            mi = jnp.where(m, 1, 0).astype(jnp.int32)
            pos = cnt + plsc.cumsum(mi) - 1
            plsc.store_scatter(fsrc, [pos], sv, mask=m)
            plsc.store_scatter(fdst, [pos], fl - 1, mask=m)
            return cnt + jnp.sum(mi)

        cnt = lax.fori_loop(0, e_pad // 16, compact, jnp.int32(0))

        scrap16 = jnp.full((16,), nb_n, jnp.int32)
        zero16i = jnp.zeros((16,), jnp.int32)
        for k in range(cpr):
            plsc.store_scatter(fsrc, [cnt + k * 16 + iota16], zero16i)
            plsc.store_scatter(fdst, [cnt + k * 16 + iota16], scrap16)
        n_f_ch = (cnt + (chunk - 1)) // chunk

        plsc.subcore_barrier()

        def body(j, carry):
            off = j * chunk
            pltpu.async_copy(h_hbm.at[fsrc.at[pl.ds(off, chunk)]], rows,
                             sem).wait()
            for k in range(cpr):
                cidx[pl.ds(k * 16, 16)] = fdst[pl.ds(off + k * 16, 16)]
            pltpu.sync_copy(rows, acc.at[cidx], add=True)
            return carry

        lax.fori_loop(0, n_f_ch, body, 0)
        plsc.subcore_barrier()
        pltpu.sync_copy(acc.at[pl.ds(row0, rows_per_tile)],
                        out_hbm.at[c].at[pl.ds(row0, rows_per_tile)])

    return seg(h, src3, dst3, nbatch, zeros)



def _sc_gather_add_relu(q0, q1, nb):
    b = nb.shape[0]
    d = q0.shape[1]
    assert b % NW == 0
    b_per_w = b // NW
    assert b_per_w % 8 == 0 and b_per_w <= 128 and d % 16 == 0

    mesh = plsc.VectorSubcoreMesh(core_axis_name="c", subcore_axis_name="s")

    @functools.partial(
        pl.kernel,
        out_type=jax.ShapeDtypeStruct((b, d), jnp.float32),
        mesh=mesh,
        scratch_types=[
            pltpu.VMEM((b_per_w,), jnp.int32),
            pltpu.VMEM((b_per_w, d), jnp.float32),
            pltpu.VMEM((b_per_w, d), jnp.float32),
            pltpu.SemaphoreType.DMA,
        ],
    )
    def gat(q0_hbm, q1_hbm, nb_hbm, out_hbm, idx, b0, b1, sem):
        c = lax.axis_index("c")
        s = lax.axis_index("s")
        wid = c * NS + s
        base = pl.multiple_of(wid * b_per_w, 8)
        pltpu.sync_copy(nb_hbm.at[pl.ds(base, b_per_w)], idx)
        pltpu.async_copy(q0_hbm.at[idx], b0, sem).wait()
        pltpu.async_copy(q1_hbm.at[idx], b1, sem).wait()

        def body(i, carry):
            for j in range(d // 16):
                sl = pl.ds(j * 16, 16)
                v = b0[i, sl] + b1[i, sl]
                b0[i, sl] = jnp.maximum(v, 0.0)
            return carry

        lax.fori_loop(0, b_per_w, body, 0)
        pltpu.sync_copy(b0, out_hbm.at[pl.ds(base, b_per_w)])

    return gat(q0, q1, nb)



def kernel(adj, features, nodes_batch, W0, W1):
    n_nodes = features.shape[0]
    n_pad = ((n_nodes + NS * 8 - 1) // (NS * 8)) * (NS * 8)
    chunk = 80
    e = adj.shape[1]
    e_per_w = e // NW
    e_pad = ((e_per_w + chunk - 1) // chunk) * chunk
    n_ch = e_pad // chunk
    src2 = adj[0].astype(jnp.int32).reshape(NW, e_per_w)
    dst2 = adj[1].astype(jnp.int32).reshape(NW, e_per_w)
    pad_s = jnp.zeros((NW, e_pad - e_per_w), jnp.int32)
    pad_d = jnp.full((NW, e_pad - e_per_w), n_nodes, jnp.int32)
    src3 = jnp.concatenate([src2, pad_s], axis=1).reshape(NW, n_ch, chunk)
    dst3 = jnp.concatenate([dst2, pad_d], axis=1).reshape(NW, n_ch, chunk)
    nb = nodes_batch.astype(jnp.int32)

    hidden_dim = W0.shape[1]
    emb = W1.shape[1]
    w1p = jnp.pad(W1, ((0, 0), (0, hidden_dim - emb)))

    zeros_h = jnp.zeros((n_pad // NS, hidden_dim), jnp.float32)

    fpad = jnp.pad(features, ((0, n_pad - n_nodes), (0, 0)))
    h0 = _tc_matmul(fpad, W0, bm=n_pad // NS)
    p = _sc_segment_sum(h0, src3, dst3, zeros_h, n_pad, chunk)
    h1 = _tc_add_matmul(p[0], p[1], w1p, bm=n_pad // NS)
    nbn = nb.shape[0]
    zeros_z = jnp.zeros(((nbn + NS * 8) // NS, hidden_dim), jnp.float32)
    q, slots = _sc_segment_sum_filtered(h1, src3, dst3, nb, zeros_z, n_pad,
                                        chunk)
    z = _sc_gather_add_relu(q[0], q[1], slots)
    return _tc_zzt(z, bm=256)

# --- scband reference (transcript-rebuilt; emitter-appended) ---
"""Pipeline reference for scband-vgae-31490700214327 (READ-ONLY COPY).

The authoritative reference and input builder live on the scoring server;
editing this copy changes nothing except your own understanding.
"""

import jax, jax.numpy as jnp
import numpy as np

N = 10000
E = 320000
IN_DIM = 128
HIDDEN = 128
EMB = 64
NB = 2048


def setup_inputs(seed: int = 0) -> dict:
    key = jax.random.key(seed)
    k1, k2, k3, k4, k5 = jax.random.split(key, 5)
    adj = jax.random.randint(k1, (2, E), 0, N)
    features = jax.random.normal(k2, (N, IN_DIM), dtype=jnp.float32)
    nodes_batch = jax.random.randint(k3, (NB,), 0, N)
    W0 = jax.random.normal(k4, (IN_DIM, HIDDEN), dtype=jnp.float32) * (1.0 / np.sqrt(IN_DIM))
    W1 = jax.random.normal(k5, (HIDDEN, EMB), dtype=jnp.float32) * (1.0 / np.sqrt(HIDDEN))
    return {"adj": adj, "features": features, "nodes_batch": nodes_batch, "W0": W0, "W1": W1}


def _gcn(x, W, adj, n_nodes):
    # GCNConv with normalize=False, add_self_loops=False, bias=False:
    # h = x @ W, then sum-aggregate messages h[src] into dst.
    h = x @ W
    msgs = jnp.take(h, adj[0], axis=0)
    return jax.ops.segment_sum(msgs, adj[1], num_segments=n_nodes)


def reference(adj, features, nodes_batch, W0, W1):
    hidden = _gcn(features, W0, adj, N)
    mean = jax.nn.relu(_gcn(hidden, W1, adj, N))
    # gae=True -> Z = mean (no reparameterization noise)
    Z = jnp.take(mean, nodes_batch, axis=0)
    adj_logits = Z @ Z.T
    return adj_logits

if __name__ == "__main__":
    import jax
    _d = setup_inputs()
    print(jax.jit(kernel)(*tuple(_d.values())))

</pallas_src>

<mosaic_0001>
#map = affine_map<(d0, d1) -> (0, 0)>
#map1 = affine_map<(d0, d1) -> (0, 0, 0)>
#map2 = affine_map<(d0, d1) -> (0)>
module attributes {stable_mosaic.version = 14 : i64} {
  func.func @seg(%arg0: i32, %arg1: i32, %arg2: memref<10112x128xf32, #tpu.memory_space<hbm>>, %arg3: memref<32x125x80xi32, #tpu.memory_space<hbm>>, %arg4: memref<32x125x80xi32, #tpu.memory_space<hbm>>, %arg5: memref<2048xi32, #tpu.memory_space<hbm>>, %arg6: memref<136x128xf32, #tpu.memory_space<hbm>>, %arg7: memref<2x2176x128xf32, #tpu.memory_space<hbm>>, %arg8: memref<2048xi32, #tpu.memory_space<hbm>>, %arg9: memref<125x80xi32, #tpu.memory_space<vmem>>, %arg10: memref<125x80xi32, #tpu.memory_space<vmem>>, %arg11: memref<80x128xf32, #tpu.memory_space<vmem>>, %arg12: memref<10112xi32, #tpu.memory_space<vmem>>, %arg13: memref<2048xi32, #tpu.memory_space<vmem>>, %arg14: memref<64xi32, #tpu.memory_space<vmem>>, %arg15: memref<10080xi32, #tpu.memory_space<vmem>>, %arg16: memref<10080xi32, #tpu.memory_space<vmem>>, %arg17: memref<80xi32, #tpu.memory_space<vmem>>, %arg18: memref<2176x128xf32, #tpu.memory_space<vmem_shared>>, %arg19: memref<!tpu.dma_semaphore, #tpu.memory_space<semaphore_mem>>, %arg20: memref<!tpu.dma_semaphore, #tpu.memory_space<semaphore_mem>>) attributes {dimension_semantics = [#tpu.dimension_semantics<core_parallel>, #tpu.dimension_semantics<subcore_parallel>], iteration_bounds = array<i64: 2, 16>, scalar_prefetch = 0 : i64, scratch_operands = 12 : i64, tpu.core_type = #tpu.core_type<sc_vector_subcore>, window_params = [{transform_indices = #map}, {transform_indices = #map1}, {transform_indices = #map1}, {transform_indices = #map2}, {transform_indices = #map}, {transform_indices = #map1}, {transform_indices = #map2}]} {
    %mul3A = arith.constant 16 : i32
    %mul3A_0 = arith.muli %arg0, %mul3A : i32
    %add3A = arith.addi %mul3A_0, %arg1 : i32
    %mul3A_1 = arith.constant 136 : i32
    %mul3A_2 = arith.muli %arg1, %mul3A_1 : i32
    %multiple_of3A = tpu.assume_multiple %mul3A_2, 8 : i32
    %dma_start3A = arith.constant 0 : i32
    %dma_start3A_3 = arith.constant 0 : i32
    %dma_start3A_4 = tpu.memref_slice %arg3[%add3A, %dma_start3A, %dma_start3A_3] : memref<32x125x80xi32, #tpu.memory_space<hbm>> -> memref<1x125x80xi32, #tpu.memory_space<hbm>>
    %dma_start3A_5 = tpu.memref_squeeze %dma_start3A_4 : memref<1x125x80xi32, #tpu.memory_space<hbm>> -> memref<125x80xi32, #tpu.memory_space<hbm>>
    %dma_start3A_6 = arith.constant 0 : i32
    %dma_start3A_7 = arith.constant 0 : i32
    %dma_start3A_8 = tpu.memref_slice %arg3[%add3A, %dma_start3A_6, %dma_start3A_7] : memref<32x125x80xi32, #tpu.memory_space<hbm>> -> memref<1x125x80xi32, #tpu.memory_space<hbm>>
    %dma_start3A_9 = tpu.memref_squeeze %dma_start3A_8 : memref<1x125x80xi32, #tpu.memory_space<hbm>> -> memref<125x80xi32, #tpu.memory_space<hbm>>
    tpu.enqueue_dma source(%dma_start3A_9 : memref<125x80xi32, #tpu.memory_space<hbm>>) target(%arg9 : memref<125x80xi32, #tpu.memory_space<vmem>>) target_semaphore(%arg20 : memref<!tpu.dma_semaphore, #tpu.memory_space<semaphore_mem>>)
    %dma_start3A_10 = arith.constant 0 : i32
    %dma_start3A_11 = arith.constant 0 : i32
    %dma_start3A_12 = tpu.memref_slice %arg4[%add3A, %dma_start3A_10, %dma_start3A_11] : memref<32x125x80xi32, #tpu.memory_space<hbm>> -> memref<1x125x80xi32, #tpu.memory_space<hbm>>
    %dma_start3A_13 = tpu.memref_squeeze %dma_start3A_12 : memref<1x125x80xi32, #tpu.memory_space<hbm>> -> memref<125x80xi32, #tpu.memory_space<hbm>>
    %dma_start3A_14 = arith.constant 0 : i32
    %dma_start3A_15 = arith.constant 0 : i32
    %dma_start3A_16 = tpu.memref_slice %arg4[%add3A, %dma_start3A_14, %dma_start3A_15] : memref<32x125x80xi32, #tpu.memory_space<hbm>> -> memref<1x125x80xi32, #tpu.memory_space<hbm>>
    %dma_start3A_17 = tpu.memref_squeeze %dma_start3A_16 : memref<1x125x80xi32, #tpu.memory_space<hbm>> -> memref<125x80xi32, #tpu.memory_space<hbm>>
    tpu.enqueue_dma source(%dma_start3A_17 : memref<125x80xi32, #tpu.memory_space<hbm>>) target(%arg10 : memref<125x80xi32, #tpu.memory_space<vmem>>) target_semaphore(%arg20 : memref<!tpu.dma_semaphore, #tpu.memory_space<semaphore_mem>>)
    tpu.enqueue_dma source(%arg5 : memref<2048xi32, #tpu.memory_space<hbm>>) target(%arg13 : memref<2048xi32, #tpu.memory_space<vmem>>) target_semaphore(%arg20 : memref<!tpu.dma_semaphore, #tpu.memory_space<semaphore_mem>>)
    "tpu.region"() ({
      %run_scoped3A = tpu.sem_alloc : memref<!tpu.dma_semaphore, #tpu.memory_space<semaphore_mem>>
      %dma_start3A_164 = arith.constant 0 : i32
      %dma_start3A_165 = tpu.memref_slice %arg18[%multiple_of3A, %dma_start3A_164] : memref<2176x128xf32, #tpu.memory_space<vmem_shared>> -> memref<136x128xf32, #tpu.memory_space<vmem_shared>>
      tpu.enqueue_dma source(%arg6 : memref<136x128xf32, #tpu.memory_space<hbm>>) target(%dma_start3A_165 : memref<136x128xf32, #tpu.memory_space<vmem_shared>>) target_semaphore(%run_scoped3A : memref<!tpu.dma_semaphore, #tpu.memory_space<semaphore_mem>>)
      %dma_wait3A_166 = arith.constant 0 : i32
      %dma_wait3A_167 = tpu.memref_slice %arg18[%multiple_of3A, %dma_wait3A_166] : memref<2176x128xf32, #tpu.memory_space<vmem_shared>> -> memref<136x128xf32, #tpu.memory_space<vmem_shared>>
      tpu.wait_dma2 semaphore(%run_scoped3A : memref<!tpu.dma_semaphore, #tpu.memory_space<semaphore_mem>>) src(%arg6 : memref<136x128xf32, #tpu.memory_space<hbm>>) dst(%dma_wait3A_167 : memref<136x128xf32, #tpu.memory_space<vmem_shared>>)
      tpu.yield
    }) : () -> ()
    %broadcast_in_dim3A = arith.constant 0 : i32
    %broadcast_in_dim3A_18 = vector.broadcast %broadcast_in_dim3A : i32 to vector<16xi32>
    %scan3A = arith.constant 0 : i32
    %scan3A_19 = arith.constant 0 : i32
    %scan3A_20 = arith.constant 632 : i32
    %scan3A_21 = arith.addi %scan3A_19, %scan3A_20 : i32
    %scan3A_22 = arith.constant 1 : i32
    scf.for %scan3A_164 = %scan3A_19 to %scan3A_21 step %scan3A_22  : i32 {
      %mul3A_165 = arith.constant 16 : i32
      %mul3A_166 = arith.muli %scan3A_164, %mul3A_165 : i32
      %swap3A_167 = arith.index_cast %mul3A_166 : i32 to index
      %swap3A_168 = tpu.vector_load %arg12[%swap3A_167] {strides = array<i32>} : memref<10112xi32, #tpu.memory_space<vmem>>, vector<16xi32>,
      tpu.vector_store %arg12[%swap3A_167], %broadcast_in_dim3A_18 {strides = array<i32>} : memref<10112xi32, #tpu.memory_space<vmem>>, vector<16xi32>,
    }
    %scan3A_23 = arith.constant 632 : i32
    %dma_wait3A = arith.constant 0 : i32
    %dma_wait3A_24 = arith.constant 0 : i32
    %dma_wait3A_25 = tpu.memref_slice %arg3[%add3A, %dma_wait3A, %dma_wait3A_24] : memref<32x125x80xi32, #tpu.memory_space<hbm>> -> memref<1x125x80xi32, #tpu.memory_space<hbm>>
    %dma_wait3A_26 = tpu.memref_squeeze %dma_wait3A_25 : memref<1x125x80xi32, #tpu.memory_space<hbm>> -> memref<125x80xi32, #tpu.memory_space<hbm>>
    %dma_wait3A_27 = arith.constant 0 : i32
    %dma_wait3A_28 = arith.constant 0 : i32
    %dma_wait3A_29 = tpu.memref_slice %arg3[%add3A, %dma_wait3A_27, %dma_wait3A_28] : memref<32x125x80xi32, #tpu.memory_space<hbm>> -> memref<1x125x80xi32, #tpu.memory_space<hbm>>
    %dma_wait3A_30 = tpu.memref_squeeze %dma_wait3A_29 : memref<1x125x80xi32, #tpu.memory_space<hbm>> -> memref<125x80xi32, #tpu.memory_space<hbm>>
    tpu.wait_dma2 semaphore(%arg20 : memref<!tpu.dma_semaphore, #tpu.memory_space<semaphore_mem>>) src(%dma_wait3A_30 : memref<125x80xi32, #tpu.memory_space<hbm>>) dst(%arg9 : memref<125x80xi32, #tpu.memory_space<vmem>>)
    %dma_wait3A_31 = arith.constant 0 : i32
    %dma_wait3A_32 = arith.constant 0 : i32
    %dma_wait3A_33 = tpu.memref_slice %arg4[%add3A, %dma_wait3A_31, %dma_wait3A_32] : memref<32x125x80xi32, #tpu.memory_space<hbm>> -> memref<1x125x80xi32, #tpu.memory_space<hbm>>
    %dma_wait3A_34 = tpu.memref_squeeze %dma_wait3A_33 : memref<1x125x80xi32, #tpu.memory_space<hbm>> -> memref<125x80xi32, #tpu.memory_space<hbm>>
    %dma_wait3A_35 = arith.constant 0 : i32
    %dma_wait3A_36 = arith.constant 0 : i32
    %dma_wait3A_37 = tpu.memref_slice %arg4[%add3A, %dma_wait3A_35, %dma_wait3A_36] : memref<32x125x80xi32, #tpu.memory_space<hbm>> -> memref<1x125x80xi32, #tpu.memory_space<hbm>>
    %dma_wait3A_38 = tpu.memref_squeeze %dma_wait3A_37 : memref<1x125x80xi32, #tpu.memory_space<hbm>> -> memref<125x80xi32, #tpu.memory_space<hbm>>
    tpu.wait_dma2 semaphore(%arg20 : memref<!tpu.dma_semaphore, #tpu.memory_space<semaphore_mem>>) src(%dma_wait3A_38 : memref<125x80xi32, #tpu.memory_space<hbm>>) dst(%arg10 : memref<125x80xi32, #tpu.memory_space<vmem>>)
    tpu.wait_dma2 semaphore(%arg20 : memref<!tpu.dma_semaphore, #tpu.memory_space<semaphore_mem>>) src(%arg5 : memref<2048xi32, #tpu.memory_space<hbm>>) dst(%arg13 : memref<2048xi32, #tpu.memory_space<vmem>>)
    %iota3A = tpu.iota {dimensions = array<i32: 0>} : vector<16xi32>
    %scan3A_39 = arith.constant 0 : i32
    %scan3A_40 = arith.constant 0 : i32
    %scan3A_41 = arith.constant 128 : i32
    %scan3A_42 = arith.addi %scan3A_40, %scan3A_41 : i32
    %scan3A_43 = arith.constant 1 : i32
    scf.for %scan3A_164 = %scan3A_40 to %scan3A_42 step %scan3A_43  : i32 {
      %mul3A_165 = arith.constant 16 : i32
      %mul3A_166 = arith.muli %scan3A_164, %mul3A_165 : i32
      %get3A_167 = arith.index_cast %mul3A_166 : i32 to index
      %get3A_168 = tpu.vector_load %arg13[%get3A_167] {strides = array<i32>} : memref<2048xi32, #tpu.memory_space<vmem>>, vector<16xi32>,
      %mul3A_169 = arith.constant 16 : i32
      %mul3A_170 = arith.muli %scan3A_164, %mul3A_169 : i32
      %add3A_171 = vector.broadcast %mul3A_170 : i32 to vector<16xi32>
      %add3A_172 = arith.addi %add3A_171, %iota3A : vector<16xi32>
      %add3A_173 = arith.constant 1 : i32
      %add3A_174 = vector.broadcast %add3A_173 : i32 to vector<16xi32>
      %add3A_175 = arith.addi %add3A_172, %add3A_174 : vector<16xi32>
      tpu.vector_store_idx %arg12[%get3A_168], %add3A_175 : memref<10112xi32, #tpu.memory_space<vmem>>[vector<16xi32>], vector<16xi32>,
    }
    %scan3A_44 = arith.constant 128 : i32
    %mul3A_45 = arith.constant 64 : i32
    %mul3A_46 = arith.muli %add3A, %mul3A_45 : i32
    %multiple_of3A_47 = tpu.assume_multiple %mul3A_46, 8 : i32
    %add3A_48 = arith.constant 0 : i32
    %add3A_49 = arith.addi %multiple_of3A_47, %add3A_48 : i32
    %get3A = arith.index_cast %add3A_49 : i32 to index
    %get3A_50 = tpu.vector_load %arg13[%get3A] {strides = array<i32>} : memref<2048xi32, #tpu.memory_space<vmem>>, vector<16xi32>,
    %gather3A = tpu.vector_load_idx %arg12[%get3A_50] : memref<10112xi32, #tpu.memory_space<vmem>>[vector<16xi32>], vector<16xi32>,
    %sub3A = arith.constant 1 : i32
    %sub3A_51 = vector.broadcast %sub3A : i32 to vector<16xi32>
    %sub3A_52 = arith.subi %gather3A, %sub3A_51 : vector<16xi32>
    %swap3A = arith.constant 0 : index
    %swap3A_53 = tpu.vector_load %arg14[%swap3A] {strides = array<i32>} : memref<64xi32, #tpu.memory_space<vmem>>, vector<16xi32>,
    tpu.vector_store %arg14[%swap3A], %sub3A_52 {strides = array<i32>} : memref<64xi32, #tpu.memory_space<vmem>>, vector<16xi32>,
    %add3A_54 = arith.constant 16 : i32
    %add3A_55 = arith.addi %multiple_of3A_47, %add3A_54 : i32
    %get3A_56 = arith.index_cast %add3A_55 : i32 to index
    %get3A_57 = tpu.vector_load %arg13[%get3A_56] {strides = array<i32>} : memref<2048xi32, #tpu.memory_space<vmem>>, vector<16xi32>,
    %gather3A_58 = tpu.vector_load_idx %arg12[%get3A_57] : memref<10112xi32, #tpu.memory_space<vmem>>[vector<16xi32>], vector<16xi32>,
    %sub3A_59 = arith.constant 1 : i32
    %sub3A_60 = vector.broadcast %sub3A_59 : i32 to vector<16xi32>
    %sub3A_61 = arith.subi %gather3A_58, %sub3A_60 : vector<16xi32>
    %swap3A_62 = arith.constant 16 : index
    %swap3A_63 = tpu.vector_load %arg14[%swap3A_62] {strides = array<i32>} : memref<64xi32, #tpu.memory_space<vmem>>, vector<16xi32>,
    tpu.vector_store %arg14[%swap3A_62], %sub3A_61 {strides = array<i32>} : memref<64xi32, #tpu.memory_space<vmem>>, vector<16xi32>,
    %add3A_64 = arith.constant 32 : i32
    %add3A_65 = arith.addi %multiple_of3A_47, %add3A_64 : i32
    %get3A_66 = arith.index_cast %add3A_65 : i32 to index
    %get3A_67 = tpu.vector_load %arg13[%get3A_66] {strides = array<i32>} : memref<2048xi32, #tpu.memory_space<vmem>>, vector<16xi32>,
    %gather3A_68 = tpu.vector_load_idx %arg12[%get3A_67] : memref<10112xi32, #tpu.memory_space<vmem>>[vector<16xi32>], vector<16xi32>,
    %sub3A_69 = arith.constant 1 : i32
    %sub3A_70 = vector.broadcast %sub3A_69 : i32 to vector<16xi32>
    %sub3A_71 = arith.subi %gather3A_68, %sub3A_70 : vector<16xi32>
    %swap3A_72 = arith.constant 32 : index
    %swap3A_73 = tpu.vector_load %arg14[%swap3A_72] {strides = array<i32>} : memref<64xi32, #tpu.memory_space<vmem>>, vector<16xi32>,
    tpu.vector_store %arg14[%swap3A_72], %sub3A_71 {strides = array<i32>} : memref<64xi32, #tpu.memory_space<vmem>>, vector<16xi32>,
    %add3A_74 = arith.constant 48 : i32
    %add3A_75 = arith.addi %multiple_of3A_47, %add3A_74 : i32
    %get3A_76 = arith.index_cast %add3A_75 : i32 to index
    %get3A_77 = tpu.vector_load %arg13[%get3A_76] {strides = array<i32>} : memref<2048xi32, #tpu.memory_space<vmem>>, vector<16xi32>,
    %gather3A_78 = tpu.vector_load_idx %arg12[%get3A_77] : memref<10112xi32, #tpu.memory_space<vmem>>[vector<16xi32>], vector<16xi32>,
    %sub3A_79 = arith.constant 1 : i32
    %sub3A_80 = vector.broadcast %sub3A_79 : i32 to vector<16xi32>
    %sub3A_81 = arith.subi %gather3A_78, %sub3A_80 : vector<16xi32>
    %swap3A_82 = arith.constant 48 : index
    %swap3A_83 = tpu.vector_load %arg14[%swap3A_82] {strides = array<i32>} : memref<64xi32, #tpu.memory_space<vmem>>, vector<16xi32>,
    tpu.vector_store %arg14[%swap3A_82], %sub3A_81 {strides = array<i32>} : memref<64xi32, #tpu.memory_space<vmem>>, vector<16xi32>,
    "tpu.region"() ({
      %run_scoped3A = tpu.sem_alloc : memref<!tpu.dma_semaphore, #tpu.memory_space<semaphore_mem>>
      %dma_start3A_164 = tpu.memref_slice %arg8[%multiple_of3A_47] : memref<2048xi32, #tpu.memory_space<hbm>> -> memref<64xi32, #tpu.memory_space<hbm>>
      %dma_start3A_165 = tpu.memref_slice %arg8[%multiple_of3A_47] : memref<2048xi32, #tpu.memory_space<hbm>> -> memref<64xi32, #tpu.memory_space<hbm>>
      tpu.enqueue_dma source(%arg14 : memref<64xi32, #tpu.memory_space<vmem>>) target(%dma_start3A_165 : memref<64xi32, #tpu.memory_space<hbm>>) target_semaphore(%run_scoped3A : memref<!tpu.dma_semaphore, #tpu.memory_space<semaphore_mem>>)
      %dma_wait3A_166 = tpu.memref_slice %arg8[%multiple_of3A_47] : memref<2048xi32, #tpu.memory_space<hbm>> -> memref<64xi32, #tpu.memory_space<hbm>>
      %dma_wait3A_167 = tpu.memref_slice %arg8[%multiple_of3A_47] : memref<2048xi32, #tpu.memory_space<hbm>> -> memref<64xi32, #tpu.memory_space<hbm>>
      tpu.wait_dma2 semaphore(%run_scoped3A : memref<!tpu.dma_semaphore, #tpu.memory_space<semaphore_mem>>) src(%arg14 : memref<64xi32, #tpu.memory_space<vmem>>) dst(%dma_wait3A_167 : memref<64xi32, #tpu.memory_space<hbm>>)
      tpu.yield
    }) : () -> ()
    %scan3A_84 = arith.constant 0 : i32
    %scan3A_85 = arith.constant 0 : i32
    %scan3A_86 = arith.constant 625 : i32
    %scan3A_87 = arith.addi %scan3A_85, %scan3A_86 : i32
    %scan3A_88 = arith.constant 1 : i32
    %scan3A_89 = scf.for %scan3A_164 = %scan3A_85 to %scan3A_87 step %scan3A_88 iter_args(%scan3A_165 = %scan3A_84) -> (i32)  : i32 {
      %jit3A_166 = arith.constant 5 : i32
      %div3A_167 = arith.divsi %scan3A_164, %jit3A_166 : i32
      %sign3A_168 = arith.constant 0 : i32
      %sign3A_169 = arith.cmpi sgt, %scan3A_164, %sign3A_168 : i32
      %sign3A_170 = arith.extui %sign3A_169 : i1 to i32
      %sign3A_171 = arith.constant 0 : i32
      %sign3A_172 = arith.cmpi slt, %scan3A_164, %sign3A_171 : i32
      %sign3A_173 = arith.extui %sign3A_172 : i1 to i32
      %sign3A_174 = arith.subi %sign3A_170, %sign3A_173 : i32
      %sign3A_175 = arith.constant 0 : i32
      %sign3A_176 = arith.cmpi sgt, %jit3A_166, %sign3A_175 : i32
      %sign3A_177 = arith.extui %sign3A_176 : i1 to i32
      %sign3A_178 = arith.constant 0 : i32
      %sign3A_179 = arith.cmpi slt, %jit3A_166, %sign3A_178 : i32
      %sign3A_180 = arith.extui %sign3A_179 : i1 to i32
      %sign3A_181 = arith.subi %sign3A_177, %sign3A_180 : i32
      %ne3A_182 = arith.cmpi ne, %sign3A_174, %sign3A_181 : i32
      %rem3A_183 = arith.remsi %scan3A_164, %jit3A_166 : i32
      %ne3A_184 = arith.constant 0 : i32
      %ne3A_185 = arith.cmpi ne, %rem3A_183, %ne3A_184 : i32
      %and3A_186 = arith.andi %ne3A_182, %ne3A_185 : i1
      %sub3A_187 = arith.constant 1 : i32
      %sub3A_188 = arith.subi %div3A_167, %sub3A_187 : i32
      %select_n3A_189 = arith.select %and3A_186, %sub3A_188, %div3A_167 : i32
      %jit3A_190 = arith.constant 5 : i32
      %eq3A = arith.constant 0 : i32
      %eq3A_191 = arith.cmpi eq, %jit3A_190, %eq3A : i32
      %jit3A_192 = arith.constant 1 : i32
      %select_n3A_193 = arith.select %eq3A_191, %jit3A_192, %jit3A_190 : i32
      %rem3A_194 = arith.remsi %scan3A_164, %select_n3A_193 : i32
      %ne3A_195 = arith.constant 0 : i32
      %ne3A_196 = arith.cmpi ne, %rem3A_194, %ne3A_195 : i32
      %lt3A = arith.constant 0 : i32
      %lt3A_197 = arith.cmpi slt, %rem3A_194, %lt3A : i32
      %lt3A_198 = arith.constant 0 : i32
      %lt3A_199 = arith.cmpi slt, %select_n3A_193, %lt3A_198 : i32
      %ne3A_200 = arith.xori %lt3A_197, %lt3A_199 : i1
      %and3A_201 = arith.andi %ne3A_200, %ne3A_196 : i1
      %add3A_202 = arith.addi %rem3A_194, %select_n3A_193 : i32
      %select_n3A_203 = arith.select %and3A_201, %add3A_202, %rem3A_194 : i32
      %mul3A_204 = arith.constant 16 : i32
      %mul3A_205 = arith.muli %select_n3A_203, %mul3A_204 : i32
      %get3A_206 = arith.index_cast %select_n3A_189 : i32 to index
      %get3A_207 = arith.index_cast %mul3A_205 : i32 to index
      %get3A_208 = tpu.vector_load %arg9[%get3A_206, %get3A_207] {strides = array<i32>} : memref<125x80xi32, #tpu.memory_space<vmem>>, vector<16xi32>,
      %mul3A_209 = arith.constant 16 : i32
      %mul3A_210 = arith.muli %select_n3A_203, %mul3A_209 : i32
      %get3A_211 = arith.index_cast %select_n3A_189 : i32 to index
      %get3A_212 = arith.index_cast %mul3A_210 : i32 to index
      %get3A_213 = tpu.vector_load %arg10[%get3A_211, %get3A_212] {strides = array<i32>} : memref<125x80xi32, #tpu.memory_space<vmem>>, vector<16xi32>,
      %gather3A_214 = tpu.vector_load_idx %arg12[%get3A_213] : memref<10112xi32, #tpu.memory_space<vmem>>[vector<16xi32>], vector<16xi32>,
      %gt3A = arith.constant 0 : i32
      %gt3A_215 = vector.broadcast %gt3A : i32 to vector<16xi32>
      %gt3A_216 = arith.cmpi sgt, %gather3A_214, %gt3A_215 : vector<16xi32>
      %jit3A_217 = arith.constant 1 : i32
      %jit3A_218 = arith.constant 0 : i32
      %broadcast_in_dim3A_219 = vector.broadcast %jit3A_217 : i32 to vector<16xi32>
      %broadcast_in_dim3A_220 = vector.broadcast %jit3A_218 : i32 to vector<16xi32>
      %select_n3A_221 = arith.select %gt3A_216, %broadcast_in_dim3A_219, %broadcast_in_dim3A_220 : vector<16xi1>, vector<16xi32>
      %broadcast_in_dim3A_222 = arith.constant true
      %broadcast_in_dim3A_223 = vector.broadcast %broadcast_in_dim3A_222 : i1 to vector<16xi1>
      %masked_cumsum3A = tpu.scan <sum>, %select_n3A_221 masked %broadcast_in_dim3A_223 : vector<16xi32>, vector<16xi1> -> vector<16xi32>
      %add3A_224 = vector.broadcast %scan3A_165 : i32 to vector<16xi32>
      %add3A_225 = arith.addi %add3A_224, %masked_cumsum3A : vector<16xi32>
      %sub3A_226 = arith.constant 1 : i32
      %sub3A_227 = vector.broadcast %sub3A_226 : i32 to vector<16xi32>
      %sub3A_228 = arith.subi %add3A_225, %sub3A_227 : vector<16xi32>
      tpu.vector_store_idx %arg15[%sub3A_228], %get3A_208 masked %gt3A_216 : memref<10080xi32, #tpu.memory_space<vmem>>[vector<16xi32>], vector<16xi32>, vector<16xi1>
      %sub3A_229 = arith.constant 1 : i32
      %sub3A_230 = vector.broadcast %sub3A_229 : i32 to vector<16xi32>
      %sub3A_231 = arith.subi %gather3A_214, %sub3A_230 : vector<16xi32>
      tpu.vector_store_idx %arg16[%sub3A_228], %sub3A_231 masked %gt3A_216 : memref<10080xi32, #tpu.memory_space<vmem>>[vector<16xi32>], vector<16xi32>, vector<16xi1>
      %reduce_sum3A = arith.constant true
      %reduce_sum3A_232 = vector.broadcast %reduce_sum3A : i1 to vector<16xi1>
      %reduce_sum3A_233 = tpu.scan <sum>, %select_n3A_221 masked %reduce_sum3A_232 : vector<16xi32>, vector<16xi1> -> vector<16xi32>
      %reduce_sum3A_234 = vector.extract %reduce_sum3A_233[15] : i32 from vector<16xi32>
      %add3A_235 = arith.addi %scan3A_165, %reduce_sum3A_234 : i32
      scf.yield %add3A_235 : i32
    }
    %scan3A_90 = arith.constant 625 : i32
    %broadcast_in_dim3A_91 = arith.constant 2048 : i32
    %broadcast_in_dim3A_92 = vector.broadcast %broadcast_in_dim3A_91 : i32 to vector<16xi32>
    %broadcast_in_dim3A_93 = arith.constant 0 : i32
    %broadcast_in_dim3A_94 = vector.broadcast %broadcast_in_dim3A_93 : i32 to vector<16xi32>
    %add3A_95 = arith.constant 0 : i32
    %add3A_96 = arith.addi %scan3A_89, %add3A_95 : i32
    %add3A_97 = vector.broadcast %add3A_96 : i32 to vector<16xi32>
    %add3A_98 = arith.addi %add3A_97, %iota3A : vector<16xi32>
    tpu.vector_store_idx %arg15[%add3A_98], %broadcast_in_dim3A_94 : memref<10080xi32, #tpu.memory_space<vmem>>[vector<16xi32>], vector<16xi32>,
    %add3A_99 = arith.constant 0 : i32
    %add3A_100 = arith.addi %scan3A_89, %add3A_99 : i32
    %add3A_101 = vector.broadcast %add3A_100 : i32 to vector<16xi32>
    %add3A_102 = arith.addi %add3A_101, %iota3A : vector<16xi32>
    tpu.vector_store_idx %arg16[%add3A_102], %broadcast_in_dim3A_92 : memref<10080xi32, #tpu.memory_space<vmem>>[vector<16xi32>], vector<16xi32>,
    %add3A_103 = arith.constant 16 : i32
    %add3A_104 = arith.addi %scan3A_89, %add3A_103 : i32
    %add3A_105 = vector.broadcast %add3A_104 : i32 to vector<16xi32>
    %add3A_106 = arith.addi %add3A_105, %iota3A : vector<16xi32>
    tpu.vector_store_idx %arg15[%add3A_106], %broadcast_in_dim3A_94 : memref<10080xi32, #tpu.memory_space<vmem>>[vector<16xi32>], vector<16xi32>,
    %add3A_107 = arith.constant 16 : i32
    %add3A_108 = arith.addi %scan3A_89, %add3A_107 : i32
    %add3A_109 = vector.broadcast %add3A_108 : i32 to vector<16xi32>
    %add3A_110 = arith.addi %add3A_109, %iota3A : vector<16xi32>
    tpu.vector_store_idx %arg16[%add3A_110], %broadcast_in_dim3A_92 : memref<10080xi32, #tpu.memory_space<vmem>>[vector<16xi32>], vector<16xi32>,
    %add3A_111 = arith.constant 32 : i32
    %add3A_112 = arith.addi %scan3A_89, %add3A_111 : i32
    %add3A_113 = vector.broadcast %add3A_112 : i32 to vector<16xi32>
    %add3A_114 = arith.addi %add3A_113, %iota3A : vector<16xi32>
    tpu.vector_store_idx %arg15[%add3A_114], %broadcast_in_dim3A_94 : memref<10080xi32, #tpu.memory_space<vmem>>[vector<16xi32>], vector<16xi32>,
    %add3A_115 = arith.constant 32 : i32
    %add3A_116 = arith.addi %scan3A_89, %add3A_115 : i32
    %add3A_117 = vector.broadcast %add3A_116 : i32 to vector<16xi32>
    %add3A_118 = arith.addi %add3A_117, %iota3A : vector<16xi32>
    tpu.vector_store_idx %arg16[%add3A_118], %broadcast_in_dim3A_92 : memref<10080xi32, #tpu.memory_space<vmem>>[vector<16xi32>], vector<16xi32>,
    %add3A_119 = arith.constant 48 : i32
    %add3A_120 = arith.addi %scan3A_89, %add3A_119 : i32
    %add3A_121 = vector.broadcast %add3A_120 : i32 to vector<16xi32>
    %add3A_122 = arith.addi %add3A_121, %iota3A : vector<16xi32>
    tpu.vector_store_idx %arg15[%add3A_122], %broadcast_in_dim3A_94 : memref<10080xi32, #tpu.memory_space<vmem>>[vector<16xi32>], vector<16xi32>,
    %add3A_123 = arith.constant 48 : i32
    %add3A_124 = arith.addi %scan3A_89, %add3A_123 : i32
    %add3A_125 = vector.broadcast %add3A_124 : i32 to vector<16xi32>
    %add3A_126 = arith.addi %add3A_125, %iota3A : vector<16xi32>
    tpu.vector_store_idx %arg16[%add3A_126], %broadcast_in_dim3A_92 : memref<10080xi32, #tpu.memory_space<vmem>>[vector<16xi32>], vector<16xi32>,
    %add3A_127 = arith.constant 64 : i32
    %add3A_128 = arith.addi %scan3A_89, %add3A_127 : i32
    %add3A_129 = vector.broadcast %add3A_128 : i32 to vector<16xi32>
    %add3A_130 = arith.addi %add3A_129, %iota3A : vector<16xi32>
    tpu.vector_store_idx %arg15[%add3A_130], %broadcast_in_dim3A_94 : memref<10080xi32, #tpu.memory_space<vmem>>[vector<16xi32>], vector<16xi32>,
    %add3A_131 = arith.constant 64 : i32
    %add3A_132 = arith.addi %scan3A_89, %add3A_131 : i32
    %add3A_133 = vector.broadcast %add3A_132 : i32 to vector<16xi32>
    %add3A_134 = arith.addi %add3A_133, %iota3A : vector<16xi32>
    tpu.vector_store_idx %arg16[%add3A_134], %broadcast_in_dim3A_92 : memref<10080xi32, #tpu.memory_space<vmem>>[vector<16xi32>], vector<16xi32>,
    %add3A_135 = arith.constant 79 : i32
    %add3A_136 = arith.addi %scan3A_89, %add3A_135 : i32
    %jit3A = arith.constant 80 : i32
    %div3A = arith.divsi %add3A_136, %jit3A : i32
    %sign3A = arith.constant 0 : i32
    %sign3A_137 = arith.cmpi sgt, %add3A_136, %sign3A : i32
    %sign3A_138 = arith.extui %sign3A_137 : i1 to i32
    %sign3A_139 = arith.constant 0 : i32
    %sign3A_140 = arith.cmpi slt, %add3A_136, %sign3A_139 : i32
    %sign3A_141 = arith.extui %sign3A_140 : i1 to i32
    %sign3A_142 = arith.subi %sign3A_138, %sign3A_141 : i32
    %sign3A_143 = arith.constant 0 : i32
    %sign3A_144 = arith.cmpi sgt, %jit3A, %sign3A_143 : i32
    %sign3A_145 = arith.extui %sign3A_144 : i1 to i32
    %sign3A_146 = arith.constant 0 : i32
    %sign3A_147 = arith.cmpi slt, %jit3A, %sign3A_146 : i32
    %sign3A_148 = arith.extui %sign3A_147 : i1 to i32
    %sign3A_149 = arith.subi %sign3A_145, %sign3A_148 : i32
    %ne3A = arith.cmpi ne, %sign3A_142, %sign3A_149 : i32
    %rem3A = arith.remsi %add3A_136, %jit3A : i32
    %ne3A_150 = arith.constant 0 : i32
    %ne3A_151 = arith.cmpi ne, %rem3A, %ne3A_150 : i32
    %and3A = arith.andi %ne3A, %ne3A_151 : i1
    %sub3A_152 = arith.constant 1 : i32
    %sub3A_153 = arith.subi %div3A, %sub3A_152 : i32
    %select_n3A = arith.select %and3A, %sub3A_153, %div3A : i32
    %barrier3A = arith.constant 0 : index
    tpu.barrier barrier_id(%barrier3A)
    %while3A = arith.constant 0 : i32
    %while3A_154 = arith.constant 0 : i32
    %while3A_155 = arith.subi %select_n3A, %while3A_154 : i32
    %while3A_156 = arith.addi %while3A_154, %while3A_155 : i32
    %while3A_157 = arith.constant 1 : i32
    %while3A_158 = arith.divsi %while3A_155, %while3A_157 : i32
    %while3A_159 = arith.muli %while3A_158, %while3A_157 : i32
    %while3A_160 = arith.addi %while3A_154, %while3A_159 : i32
    %while3A_161 = arith.constant 1 : i32
    scf.for %while3A_164 = %while3A_154 to %while3A_160 step %while3A_161  : i32 {
      %mul3A_165 = arith.constant 80 : i32
      %mul3A_166 = arith.muli %while3A_164, %mul3A_165 : i32
      %dma_start3A_167 = tpu.memref_slice %arg15[%mul3A_166] : memref<10080xi32, #tpu.memory_space<vmem>> -> memref<80xi32, #tpu.memory_space<vmem>>
      %dma_start3A_168 = arith.constant 0 : i32
      %dma_start3A_169 = arith.constant 0 : i32
      %dma_start3A_170 = tpu.memref_slice %arg2[%dma_start3A_168, %dma_start3A_169] : memref<10112x128xf32, #tpu.memory_space<hbm>> -> memref<10112x128xf32, #tpu.memory_space<hbm>>
      tpu.enqueue_indirect_dma source(%dma_start3A_170 : memref<10112x128xf32, #tpu.memory_space<hbm>>) target(%arg11 : memref<80x128xf32, #tpu.memory_space<vmem>>) offsets(%dma_start3A_167 : memref<80xi32, #tpu.memory_space<vmem>>) semaphore(%arg19 : memref<!tpu.dma_semaphore, #tpu.memory_space<semaphore_mem>>)
      %dma_wait3A_171 = tpu.memref_slice %arg15[%mul3A_166] : memref<10080xi32, #tpu.memory_space<vmem>> -> memref<80xi32, #tpu.memory_space<vmem>>
      %dma_wait3A_172 = arith.constant 0 : i32
      %dma_wait3A_173 = arith.constant 0 : i32
      %dma_wait3A_174 = tpu.memref_slice %arg2[%dma_wait3A_172, %dma_wait3A_173] : memref<10112x128xf32, #tpu.memory_space<hbm>> -> memref<10112x128xf32, #tpu.memory_space<hbm>>
      tpu.wait_indirect_dma semaphore(%arg19 : memref<!tpu.dma_semaphore, #tpu.memory_space<semaphore_mem>>) src(%dma_wait3A_174 : memref<10112x128xf32, #tpu.memory_space<hbm>>) dst(%arg11 : memref<80x128xf32, #tpu.memory_space<vmem>>)
      %add3A_175 = arith.constant 0 : i32
      %add3A_176 = arith.addi %mul3A_166, %add3A_175 : i32
      %get3A_177 = arith.index_cast %add3A_176 : i32 to index
      %get3A_178 = tpu.vector_load %arg16[%get3A_177] {strides = array<i32>} : memref<10080xi32, #tpu.memory_space<vmem>>, vector<16xi32>,
      %swap3A_179 = arith.constant 0 : index
      %swap3A_180 = tpu.vector_load %arg17[%swap3A_179] {strides = array<i32>} : memref<80xi32, #tpu.memory_space<vmem>>, vector<16xi32>,
      tpu.vector_store %arg17[%swap3A_179], %get3A_178 {strides = array<i32>} : memref<80xi32, #tpu.memory_space<vmem>>, vector<16xi32>,
      %add3A_181 = arith.constant 16 : i32
      %add3A_182 = arith.addi %mul3A_166, %add3A_181 : i32
      %get3A_183 = arith.index_cast %add3A_182 : i32 to index
      %get3A_184 = tpu.vector_load %arg16[%get3A_183] {strides = array<i32>} : memref<10080xi32, #tpu.memory_space<vmem>>, vector<16xi32>,
      %swap3A_185 = arith.constant 16 : index
      %swap3A_186 = tpu.vector_load %arg17[%swap3A_185] {strides = array<i32>} : memref<80xi32, #tpu.memory_space<vmem>>, vector<16xi32>,
      tpu.vector_store %arg17[%swap3A_185], %get3A_184 {strides = array<i32>} : memref<80xi32, #tpu.memory_space<vmem>>, vector<16xi32>,
      %add3A_187 = arith.constant 32 : i32
      %add3A_188 = arith.addi %mul3A_166, %add3A_187 : i32
      %get3A_189 = arith.index_cast %add3A_188 : i32 to index
      %get3A_190 = tpu.vector_load %arg16[%get3A_189] {strides = array<i32>} : memref<10080xi32, #tpu.memory_space<vmem>>, vector<16xi32>,
      %swap3A_191 = arith.constant 32 : index
      %swap3A_192 = tpu.vector_load %arg17[%swap3A_191] {strides = array<i32>} : memref<80xi32, #tpu.memory_space<vmem>>, vector<16xi32>,
      tpu.vector_store %arg17[%swap3A_191], %get3A_190 {strides = array<i32>} : memref<80xi32, #tpu.memory_space<vmem>>, vector<16xi32>,
      %add3A_193 = arith.constant 48 : i32
      %add3A_194 = arith.addi %mul3A_166, %add3A_193 : i32
      %get3A_195 = arith.index_cast %add3A_194 : i32 to index
      %get3A_196 = tpu.vector_load %arg16[%get3A_195] {strides = array<i32>} : memref<10080xi32, #tpu.memory_space<vmem>>, vector<16xi32>,
      %swap3A_197 = arith.constant 48 : index
      %swap3A_198 = tpu.vector_load %arg17[%swap3A_197] {strides = array<i32>} : memref<80xi32, #tpu.memory_space<vmem>>, vector<16xi32>,
      tpu.vector_store %arg17[%swap3A_197], %get3A_196 {strides = array<i32>} : memref<80xi32, #tpu.memory_space<vmem>>, vector<16xi32>,
      %add3A_199 = arith.constant 64 : i32
      %add3A_200 = arith.addi %mul3A_166, %add3A_199 : i32
      %get3A_201 = arith.index_cast %add3A_200 : i32 to index
      %get3A_202 = tpu.vector_load %arg16[%get3A_201] {strides = array<i32>} : memref<10080xi32, #tpu.memory_space<vmem>>, vector<16xi32>,
      %swap3A_203 = arith.constant 64 : index
      %swap3A_204 = tpu.vector_load %arg17[%swap3A_203] {strides = array<i32>} : memref<80xi32, #tpu.memory_space<vmem>>, vector<16xi32>,
      tpu.vector_store %arg17[%swap3A_203], %get3A_202 {strides = array<i32>} : memref<80xi32, #tpu.memory_space<vmem>>, vector<16xi32>,
      "tpu.region"() ({
        %run_scoped3A = tpu.sem_alloc : memref<!tpu.dma_semaphore, #tpu.memory_space<semaphore_mem>>
        %dma_start3A_205 = arith.constant 0 : i32
        %dma_start3A_206 = arith.constant 0 : i32
        %dma_start3A_207 = tpu.memref_slice %arg18[%dma_start3A_205, %dma_start3A_206] : memref<2176x128xf32, #tpu.memory_space<vmem_shared>> -> memref<2176x128xf32, #tpu.memory_space<vmem_shared>>
        tpu.enqueue_indirect_dma source(%arg11 : memref<80x128xf32, #tpu.memory_space<vmem>>) target(%dma_start3A_207 : memref<2176x128xf32, #tpu.memory_space<vmem_shared>>) offsets(%arg17 : memref<80xi32, #tpu.memory_space<vmem>>) semaphore(%run_scoped3A : memref<!tpu.dma_semaphore, #tpu.memory_space<semaphore_mem>>) {add = true}
        %dma_wait3A_208 = arith.constant 0 : i32
        %dma_wait3A_209 = arith.constant 0 : i32
        %dma_wait3A_210 = tpu.memref_slice %arg18[%dma_wait3A_208, %dma_wait3A_209] : memref<2176x128xf32, #tpu.memory_space<vmem_shared>> -> memref<2176x128xf32, #tpu.memory_space<vmem_shared>>
        tpu.wait_indirect_dma semaphore(%run_scoped3A : memref<!tpu.dma_semaphore, #tpu.memory_space<semaphore_mem>>) src(%arg11 : memref<80x128xf32, #tpu.memory_space<vmem>>) dst(%dma_wait3A_210 : memref<2176x128xf32, #tpu.memory_space<vmem_shared>>)
        tpu.yield
      }) : () -> ()
    }
    %while3A_162 = arith.constant 1 : i32
    scf.for %while3A_164 = %while3A_160 to %while3A_156 step %while3A_162  : i32 {
      %mul3A_165 = arith.constant 80 : i32
      %mul3A_166 = arith.muli %while3A_164, %mul3A_165 : i32
      %dma_start3A_167 = tpu.memref_slice %arg15[%mul3A_166] : memref<10080xi32, #tpu.memory_space<vmem>> -> memref<80xi32, #tpu.memory_space<vmem>>
      %dma_start3A_168 = arith.constant 0 : i32
      %dma_start3A_169 = arith.constant 0 : i32
      %dma_start3A_170 = tpu.memref_slice %arg2[%dma_start3A_168, %dma_start3A_169] : memref<10112x128xf32, #tpu.memory_space<hbm>> -> memref<10112x128xf32, #tpu.memory_space<hbm>>
      tpu.enqueue_indirect_dma source(%dma_start3A_170 : memref<10112x128xf32, #tpu.memory_space<hbm>>) target(%arg11 : memref<80x128xf32, #tpu.memory_space<vmem>>) offsets(%dma_start3A_167 : memref<80xi32, #tpu.memory_space<vmem>>) semaphore(%arg19 : memref<!tpu.dma_semaphore, #tpu.memory_space<semaphore_mem>>)
      %dma_wait3A_171 = tpu.memref_slice %arg15[%mul3A_166] : memref<10080xi32, #tpu.memory_space<vmem>> -> memref<80xi32, #tpu.memory_space<vmem>>
      %dma_wait3A_172 = arith.constant 0 : i32
      %dma_wait3A_173 = arith.constant 0 : i32
      %dma_wait3A_174 = tpu.memref_slice %arg2[%dma_wait3A_172, %dma_wait3A_173] : memref<10112x128xf32, #tpu.memory_space<hbm>> -> memref<10112x128xf32, #tpu.memory_space<hbm>>
      tpu.wait_indirect_dma semaphore(%arg19 : memref<!tpu.dma_semaphore, #tpu.memory_space<semaphore_mem>>) src(%dma_wait3A_174 : memref<10112x128xf32, #tpu.memory_space<hbm>>) dst(%arg11 : memref<80x128xf32, #tpu.memory_space<vmem>>)
      %add3A_175 = arith.constant 0 : i32
      %add3A_176 = arith.addi %mul3A_166, %add3A_175 : i32
      %get3A_177 = arith.index_cast %add3A_176 : i32 to index
      %get3A_178 = tpu.vector_load %arg16[%get3A_177] {strides = array<i32>} : memref<10080xi32, #tpu.memory_space<vmem>>, vector<16xi32>,
      %swap3A_179 = arith.constant 0 : index
      %swap3A_180 = tpu.vector_load %arg17[%swap3A_179] {strides = array<i32>} : memref<80xi32, #tpu.memory_space<vmem>>, vector<16xi32>,
      tpu.vector_store %arg17[%swap3A_179], %get3A_178 {strides = array<i32>} : memref<80xi32, #tpu.memory_space<vmem>>, vector<16xi32>,
      %add3A_181 = arith.constant 16 : i32
      %add3A_182 = arith.addi %mul3A_166, %add3A_181 : i32
      %get3A_183 = arith.index_cast %add3A_182 : i32 to index
      %get3A_184 = tpu.vector_load %arg16[%get3A_183] {strides = array<i32>} : memref<10080xi32, #tpu.memory_space<vmem>>, vector<16xi32>,
      %swap3A_185 = arith.constant 16 : index
      %swap3A_186 = tpu.vector_load %arg17[%swap3A_185] {strides = array<i32>} : memref<80xi32, #tpu.memory_space<vmem>>, vector<16xi32>,
      tpu.vector_store %arg17[%swap3A_185], %get3A_184 {strides = array<i32>} : memref<80xi32, #tpu.memory_space<vmem>>, vector<16xi32>,
      %add3A_187 = arith.constant 32 : i32
      %add3A_188 = arith.addi %mul3A_166, %add3A_187 : i32
      %get3A_189 = arith.index_cast %add3A_188 : i32 to index
      %get3A_190 = tpu.vector_load %arg16[%get3A_189] {strides = array<i32>} : memref<10080xi32, #tpu.memory_space<vmem>>, vector<16xi32>,
      %swap3A_191 = arith.constant 32 : index
      %swap3A_192 = tpu.vector_load %arg17[%swap3A_191] {strides = array<i32>} : memref<80xi32, #tpu.memory_space<vmem>>, vector<16xi32>,
      tpu.vector_store %arg17[%swap3A_191], %get3A_190 {strides = array<i32>} : memref<80xi32, #tpu.memory_space<vmem>>, vector<16xi32>,
      %add3A_193 = arith.constant 48 : i32
      %add3A_194 = arith.addi %mul3A_166, %add3A_193 : i32
      %get3A_195 = arith.index_cast %add3A_194 : i32 to index
      %get3A_196 = tpu.vector_load %arg16[%get3A_195] {strides = array<i32>} : memref<10080xi32, #tpu.memory_space<vmem>>, vector<16xi32>,
      %swap3A_197 = arith.constant 48 : index
      %swap3A_198 = tpu.vector_load %arg17[%swap3A_197] {strides = array<i32>} : memref<80xi32, #tpu.memory_space<vmem>>, vector<16xi32>,
      tpu.vector_store %arg17[%swap3A_197], %get3A_196 {strides = array<i32>} : memref<80xi32, #tpu.memory_space<vmem>>, vector<16xi32>,
      %add3A_199 = arith.constant 64 : i32
      %add3A_200 = arith.addi %mul3A_166, %add3A_199 : i32
      %get3A_201 = arith.index_cast %add3A_200 : i32 to index
      %get3A_202 = tpu.vector_load %arg16[%get3A_201] {strides = array<i32>} : memref<10080xi32, #tpu.memory_space<vmem>>, vector<16xi32>,
      %swap3A_203 = arith.constant 64 : index
      %swap3A_204 = tpu.vector_load %arg17[%swap3A_203] {strides = array<i32>} : memref<80xi32, #tpu.memory_space<vmem>>, vector<16xi32>,
      tpu.vector_store %arg17[%swap3A_203], %get3A_202 {strides = array<i32>} : memref<80xi32, #tpu.memory_space<vmem>>, vector<16xi32>,
      "tpu.region"() ({
        %run_scoped3A = tpu.sem_alloc : memref<!tpu.dma_semaphore, #tpu.memory_space<semaphore_mem>>
        %dma_start3A_205 = arith.constant 0 : i32
        %dma_start3A_206 = arith.constant 0 : i32
        %dma_start3A_207 = tpu.memref_slice %arg18[%dma_start3A_205, %dma_start3A_206] : memref<2176x128xf32, #tpu.memory_space<vmem_shared>> -> memref<2176x128xf32, #tpu.memory_space<vmem_shared>>
        tpu.enqueue_indirect_dma source(%arg11 : memref<80x128xf32, #tpu.memory_space<vmem>>) target(%dma_start3A_207 : memref<2176x128xf32, #tpu.memory_space<vmem_shared>>) offsets(%arg17 : memref<80xi32, #tpu.memory_space<vmem>>) semaphore(%run_scoped3A : memref<!tpu.dma_semaphore, #tpu.memory_space<semaphore_mem>>) {add = true}
        %dma_wait3A_208 = arith.constant 0 : i32
        %dma_wait3A_209 = arith.constant 0 : i32
        %dma_wait3A_210 = tpu.memref_slice %arg18[%dma_wait3A_208, %dma_wait3A_209] : memref<2176x128xf32, #tpu.memory_space<vmem_shared>> -> memref<2176x128xf32, #tpu.memory_space<vmem_shared>>
        tpu.wait_indirect_dma semaphore(%run_scoped3A : memref<!tpu.dma_semaphore, #tpu.memory_space<semaphore_mem>>) src(%arg11 : memref<80x128xf32, #tpu.memory_space<vmem>>) dst(%dma_wait3A_210 : memref<2176x128xf32, #tpu.memory_space<vmem_shared>>)
        tpu.yield
      }) : () -> ()
    }
    %barrier3A_163 = arith.constant 0 : index
    tpu.barrier barrier_id(%barrier3A_163)
    "tpu.region"() ({
      %run_scoped3A = tpu.sem_alloc : memref<!tpu.dma_semaphore, #tpu.memory_space<semaphore_mem>>
      %dma_start3A_164 = arith.constant 0 : i32
      %dma_start3A_165 = arith.constant 0 : i32
      %dma_start3A_166 = tpu.memref_slice %arg7[%arg0, %dma_start3A_164, %dma_start3A_165] : memref<2x2176x128xf32, #tpu.memory_space<hbm>> -> memref<1x2176x128xf32, #tpu.memory_space<hbm>>
      %dma_start3A_167 = tpu.memref_squeeze %dma_start3A_166 : memref<1x2176x128xf32, #tpu.memory_space<hbm>> -> memref<2176x128xf32, #tpu.memory_space<hbm>>
      %dma_start3A_168 = arith.constant 0 : i32
      %dma_start3A_169 = tpu.memref_slice %dma_start3A_167[%multiple_of3A, %dma_start3A_168] : memref<2176x128xf32, #tpu.memory_space<hbm>> -> memref<136x128xf32, #tpu.memory_space<hbm>>
      %dma_start3A_170 = arith.constant 0 : i32
      %dma_start3A_171 = tpu.memref_slice %arg18[%multiple_of3A, %dma_start3A_170] : memref<2176x128xf32, #tpu.memory_space<vmem_shared>> -> memref<136x128xf32, #tpu.memory_space<vmem_shared>>
      tpu.enqueue_dma source(%dma_start3A_171 : memref<136x128xf32, #tpu.memory_space<vmem_shared>>) target(%dma_start3A_169 : memref<136x128xf32, #tpu.memory_space<hbm>>) target_semaphore(%run_scoped3A : memref<!tpu.dma_semaphore, #tpu.memory_space<semaphore_mem>>)
      %dma_wait3A_172 = arith.constant 0 : i32
      %dma_wait3A_173 = arith.constant 0 : i32
      %dma_wait3A_174 = tpu.memref_slice %arg7[%arg0, %dma_wait3A_172, %dma_wait3A_173] : memref<2x2176x128xf32, #tpu.memory_space<hbm>> -> memref<1x2176x128xf32, #tpu.memory_space<hbm>>
      %dma_wait3A_175 = tpu.memref_squeeze %dma_wait3A_174 : memref<1x2176x128xf32, #tpu.memory_space<hbm>> -> memref<2176x128xf32, #tpu.memory_space<hbm>>
      %dma_wait3A_176 = arith.constant 0 : i32
      %dma_wait3A_177 = tpu.memref_slice %dma_wait3A_175[%multiple_of3A, %dma_wait3A_176] : memref<2176x128xf32, #tpu.memory_space<hbm>> -> memref<136x128xf32, #tpu.memory_space<hbm>>
      %dma_wait3A_178 = arith.constant 0 : i32
      %dma_wait3A_179 = tpu.memref_slice %arg18[%multiple_of3A, %dma_wait3A_178] : memref<2176x128xf32, #tpu.memory_space<vmem_shared>> -> memref<136x128xf32, #tpu.memory_space<vmem_shared>>
      tpu.wait_dma2 semaphore(%run_scoped3A : memref<!tpu.dma_semaphore, #tpu.memory_space<semaphore_mem>>) src(%dma_wait3A_179 : memref<136x128xf32, #tpu.memory_space<vmem_shared>>) dst(%dma_wait3A_177 : memref<136x128xf32, #tpu.memory_space<hbm>>)
      tpu.yield
    }) : () -> ()
    return
  }
}

#map = affine_map<(d0, d1) -> (0, 0)>
#map1 = affine_map<(d0, d1) -> (0, 0, 0)>
module attributes {stable_mosaic.version = 14 : i64} {
  func.func @seg(%arg0: i32, %arg1: i32, %arg2: memref<10112x128xf32, #tpu.memory_space<hbm>>, %arg3: memref<32x125x80xi32, #tpu.memory_space<hbm>>, %arg4: memref<32x125x80xi32, #tpu.memory_space<hbm>>, %arg5: memref<632x128xf32, #tpu.memory_space<hbm>>, %arg6: memref<2x10112x128xf32, #tpu.memory_space<hbm>>, %arg7: memref<125x80xi32, #tpu.memory_space<vmem>>, %arg8: memref<125x80xi32, #tpu.memory_space<vmem>>, %arg9: memref<80x128xf32, #tpu.memory_space<vmem>>, %arg10: memref<10112x128xf32, #tpu.memory_space<vmem_shared>>, %arg11: memref<!tpu.dma_semaphore, #tpu.memory_space<semaphore_mem>>, %arg12: memref<!tpu.dma_semaphore, #tpu.memory_space<semaphore_mem>>) attributes {dimension_semantics = [#tpu.dimension_semantics<core_parallel>, #tpu.dimension_semantics<subcore_parallel>], iteration_bounds = array<i64: 2, 16>, scalar_prefetch = 0 : i64, scratch_operands = 6 : i64, tpu.core_type = #tpu.core_type<sc_vector_subcore>, window_params = [{transform_indices = #map}, {transform_indices = #map1}, {transform_indices = #map1}, {transform_indices = #map}, {transform_indices = #map1}]} {
    %mul3A = arith.constant 16 : i32
    %mul3A_0 = arith.muli %arg0, %mul3A : i32
    %add3A = arith.addi %mul3A_0, %arg1 : i32
    %mul3A_1 = arith.constant 632 : i32
    %mul3A_2 = arith.muli %arg1, %mul3A_1 : i32
    %multiple_of3A = tpu.assume_multiple %mul3A_2, 8 : i32
    %dma_start3A = arith.constant 0 : i32
    %dma_start3A_3 = arith.constant 0 : i32
    %dma_start3A_4 = tpu.memref_slice %arg3[%add3A, %dma_start3A, %dma_start3A_3] : memref<32x125x80xi32, #tpu.memory_space<hbm>> -> memref<1x125x80xi32, #tpu.memory_space<hbm>>
    %dma_start3A_5 = tpu.memref_squeeze %dma_start3A_4 : memref<1x125x80xi32, #tpu.memory_space<hbm>> -> memref<125x80xi32, #tpu.memory_space<hbm>>
    %dma_start3A_6 = arith.constant 0 : i32
    %dma_start3A_7 = arith.constant 0 : i32
    %dma_start3A_8 = tpu.memref_slice %arg3[%add3A, %dma_start3A_6, %dma_start3A_7] : memref<32x125x80xi32, #tpu.memory_space<hbm>> -> memref<1x125x80xi32, #tpu.memory_space<hbm>>
    %dma_start3A_9 = tpu.memref_squeeze %dma_start3A_8 : memref<1x125x80xi32, #tpu.memory_space<hbm>> -> memref<125x80xi32, #tpu.memory_space<hbm>>
    tpu.enqueue_dma source(%dma_start3A_9 : memref<125x80xi32, #tpu.memory_space<hbm>>) target(%arg7 : memref<125x80xi32, #tpu.memory_space<vmem>>) target_semaphore(%arg12 : memref<!tpu.dma_semaphore, #tpu.memory_space<semaphore_mem>>)
    %dma_start3A_10 = arith.constant 0 : i32
    %dma_start3A_11 = arith.constant 0 : i32
    %dma_start3A_12 = tpu.memref_slice %arg4[%add3A, %dma_start3A_10, %dma_start3A_11] : memref<32x125x80xi32, #tpu.memory_space<hbm>> -> memref<1x125x80xi32, #tpu.memory_space<hbm>>
    %dma_start3A_13 = tpu.memref_squeeze %dma_start3A_12 : memref<1x125x80xi32, #tpu.memory_space<hbm>> -> memref<125x80xi32, #tpu.memory_space<hbm>>
    %dma_start3A_14 = arith.constant 0 : i32
    %dma_start3A_15 = arith.constant 0 : i32
    %dma_start3A_16 = tpu.memref_slice %arg4[%add3A, %dma_start3A_14, %dma_start3A_15] : memref<32x125x80xi32, #tpu.memory_space<hbm>> -> memref<1x125x80xi32, #tpu.memory_space<hbm>>
    %dma_start3A_17 = tpu.memref_squeeze %dma_start3A_16 : memref<1x125x80xi32, #tpu.memory_space<hbm>> -> memref<125x80xi32, #tpu.memory_space<hbm>>
    tpu.enqueue_dma source(%dma_start3A_17 : memref<125x80xi32, #tpu.memory_space<hbm>>) target(%arg8 : memref<125x80xi32, #tpu.memory_space<vmem>>) target_semaphore(%arg12 : memref<!tpu.dma_semaphore, #tpu.memory_space<semaphore_mem>>)
    "tpu.region"() ({
      %run_scoped3A = tpu.sem_alloc : memref<!tpu.dma_semaphore, #tpu.memory_space<semaphore_mem>>
      %dma_start3A_39 = arith.constant 0 : i32
      %dma_start3A_40 = tpu.memref_slice %arg10[%multiple_of3A, %dma_start3A_39] : memref<10112x128xf32, #tpu.memory_space<vmem_shared>> -> memref<632x128xf32, #tpu.memory_space<vmem_shared>>
      tpu.enqueue_dma source(%arg5 : memref<632x128xf32, #tpu.memory_space<hbm>>) target(%dma_start3A_40 : memref<632x128xf32, #tpu.memory_space<vmem_shared>>) target_semaphore(%run_scoped3A : memref<!tpu.dma_semaphore, #tpu.memory_space<semaphore_mem>>)
      %dma_wait3A_41 = arith.constant 0 : i32
      %dma_wait3A_42 = tpu.memref_slice %arg10[%multiple_of3A, %dma_wait3A_41] : memref<10112x128xf32, #tpu.memory_space<vmem_shared>> -> memref<632x128xf32, #tpu.memory_space<vmem_shared>>
      tpu.wait_dma2 semaphore(%run_scoped3A : memref<!tpu.dma_semaphore, #tpu.memory_space<semaphore_mem>>) src(%arg5 : memref<632x128xf32, #tpu.memory_space<hbm>>) dst(%dma_wait3A_42 : memref<632x128xf32, #tpu.memory_space<vmem_shared>>)
      tpu.yield
    }) : () -> ()
    %dma_wait3A = arith.constant 0 : i32
    %dma_wait3A_18 = arith.constant 0 : i32
    %dma_wait3A_19 = tpu.memref_slice %arg3[%add3A, %dma_wait3A, %dma_wait3A_18] : memref<32x125x80xi32, #tpu.memory_space<hbm>> -> memref<1x125x80xi32, #tpu.memory_space<hbm>>
    %dma_wait3A_20 = tpu.memref_squeeze %dma_wait3A_19 : memref<1x125x80xi32, #tpu.memory_space<hbm>> -> memref<125x80xi32, #tpu.memory_space<hbm>>
    %dma_wait3A_21 = arith.constant 0 : i32
    %dma_wait3A_22 = arith.constant 0 : i32
    %dma_wait3A_23 = tpu.memref_slice %arg3[%add3A, %dma_wait3A_21, %dma_wait3A_22] : memref<32x125x80xi32, #tpu.memory_space<hbm>> -> memref<1x125x80xi32, #tpu.memory_space<hbm>>
    %dma_wait3A_24 = tpu.memref_squeeze %dma_wait3A_23 : memref<1x125x80xi32, #tpu.memory_space<hbm>> -> memref<125x80xi32, #tpu.memory_space<hbm>>
    tpu.wait_dma2 semaphore(%arg12 : memref<!tpu.dma_semaphore, #tpu.memory_space<semaphore_mem>>) src(%dma_wait3A_24 : memref<125x80xi32, #tpu.memory_space<hbm>>) dst(%arg7 : memref<125x80xi32, #tpu.memory_space<vmem>>)
    %dma_wait3A_25 = arith.constant 0 : i32
    %dma_wait3A_26 = arith.constant 0 : i32
    %dma_wait3A_27 = tpu.memref_slice %arg4[%add3A, %dma_wait3A_25, %dma_wait3A_26] : memref<32x125x80xi32, #tpu.memory_space<hbm>> -> memref<1x125x80xi32, #tpu.memory_space<hbm>>
    %dma_wait3A_28 = tpu.memref_squeeze %dma_wait3A_27 : memref<1x125x80xi32, #tpu.memory_space<hbm>> -> memref<125x80xi32, #tpu.memory_space<hbm>>
    %dma_wait3A_29 = arith.constant 0 : i32
    %dma_wait3A_30 = arith.constant 0 : i32
    %dma_wait3A_31 = tpu.memref_slice %arg4[%add3A, %dma_wait3A_29, %dma_wait3A_30] : memref<32x125x80xi32, #tpu.memory_space<hbm>> -> memref<1x125x80xi32, #tpu.memory_space<hbm>>
    %dma_wait3A_32 = tpu.memref_squeeze %dma_wait3A_31 : memref<1x125x80xi32, #tpu.memory_space<hbm>> -> memref<125x80xi32, #tpu.memory_space<hbm>>
    tpu.wait_dma2 semaphore(%arg12 : memref<!tpu.dma_semaphore, #tpu.memory_space<semaphore_mem>>) src(%dma_wait3A_32 : memref<125x80xi32, #tpu.memory_space<hbm>>) dst(%arg8 : memref<125x80xi32, #tpu.memory_space<vmem>>)
    %barrier3A = arith.constant 0 : index
    tpu.barrier barrier_id(%barrier3A)
    %scan3A = arith.constant 0 : i32
    %scan3A_33 = arith.constant 0 : i32
    %scan3A_34 = arith.constant 125 : i32
    %scan3A_35 = arith.addi %scan3A_33, %scan3A_34 : i32
    %scan3A_36 = arith.constant 1 : i32
    scf.for %scan3A_39 = %scan3A_33 to %scan3A_35 step %scan3A_36  : i32 {
      %dma_start3A_40 = arith.constant 0 : i32
      %dma_start3A_41 = tpu.memref_slice %arg7[%scan3A_39, %dma_start3A_40] : memref<125x80xi32, #tpu.memory_space<vmem>> -> memref<1x80xi32, #tpu.memory_space<vmem>>
      %dma_start3A_42 = tpu.memref_squeeze %dma_start3A_41 : memref<1x80xi32, #tpu.memory_space<vmem>> -> memref<80xi32, #tpu.memory_space<vmem>>
      %dma_start3A_43 = arith.constant 0 : i32
      %dma_start3A_44 = arith.constant 0 : i32
      %dma_start3A_45 = tpu.memref_slice %arg2[%dma_start3A_43, %dma_start3A_44] : memref<10112x128xf32, #tpu.memory_space<hbm>> -> memref<10112x128xf32, #tpu.memory_space<hbm>>
      tpu.enqueue_indirect_dma source(%dma_start3A_45 : memref<10112x128xf32, #tpu.memory_space<hbm>>) target(%arg9 : memref<80x128xf32, #tpu.memory_space<vmem>>) offsets(%dma_start3A_42 : memref<80xi32, #tpu.memory_space<vmem>>) semaphore(%arg11 : memref<!tpu.dma_semaphore, #tpu.memory_space<semaphore_mem>>)
      %dma_wait3A_46 = arith.constant 0 : i32
      %dma_wait3A_47 = tpu.memref_slice %arg7[%scan3A_39, %dma_wait3A_46] : memref<125x80xi32, #tpu.memory_space<vmem>> -> memref<1x80xi32, #tpu.memory_space<vmem>>
      %dma_wait3A_48 = tpu.memref_squeeze %dma_wait3A_47 : memref<1x80xi32, #tpu.memory_space<vmem>> -> memref<80xi32, #tpu.memory_space<vmem>>
      %dma_wait3A_49 = arith.constant 0 : i32
      %dma_wait3A_50 = arith.constant 0 : i32
      %dma_wait3A_51 = tpu.memref_slice %arg2[%dma_wait3A_49, %dma_wait3A_50] : memref<10112x128xf32, #tpu.memory_space<hbm>> -> memref<10112x128xf32, #tpu.memory_space<hbm>>
      tpu.wait_indirect_dma semaphore(%arg11 : memref<!tpu.dma_semaphore, #tpu.memory_space<semaphore_mem>>) src(%dma_wait3A_51 : memref<10112x128xf32, #tpu.memory_space<hbm>>) dst(%arg9 : memref<80x128xf32, #tpu.memory_space<vmem>>)
      "tpu.region"() ({
        %run_scoped3A = tpu.sem_alloc : memref<!tpu.dma_semaphore, #tpu.memory_space<semaphore_mem>>
        %dma_start3A_52 = arith.constant 0 : i32
        %dma_start3A_53 = tpu.memref_slice %arg8[%scan3A_39, %dma_start3A_52] : memref<125x80xi32, #tpu.memory_space<vmem>> -> memref<1x80xi32, #tpu.memory_space<vmem>>
        %dma_start3A_54 = tpu.memref_squeeze %dma_start3A_53 : memref<1x80xi32, #tpu.memory_space<vmem>> -> memref<80xi32, #tpu.memory_space<vmem>>
        %dma_start3A_55 = arith.constant 0 : i32
        %dma_start3A_56 = arith.constant 0 : i32
        %dma_start3A_57 = tpu.memref_slice %arg10[%dma_start3A_55, %dma_start3A_56] : memref<10112x128xf32, #tpu.memory_space<vmem_shared>> -> memref<10112x128xf32, #tpu.memory_space<vmem_shared>>
        tpu.enqueue_indirect_dma source(%arg9 : memref<80x128xf32, #tpu.memory_space<vmem>>) target(%dma_start3A_57 : memref<10112x128xf32, #tpu.memory_space<vmem_shared>>) offsets(%dma_start3A_54 : memref<80xi32, #tpu.memory_space<vmem>>) semaphore(%run_scoped3A : memref<!tpu.dma_semaphore, #tpu.memory_space<semaphore_mem>>) {add = true}
        %dma_wait3A_58 = arith.constant 0 : i32
        %dma_wait3A_59 = tpu.memref_slice %arg8[%scan3A_39, %dma_wait3A_58] : memref<125x80xi32, #tpu.memory_space<vmem>> -> memref<1x80xi32, #tpu.memory_space<vmem>>
        %dma_wait3A_60 = tpu.memref_squeeze %dma_wait3A_59 : memref<1x80xi32, #tpu.memory_space<vmem>> -> memref<80xi32, #tpu.memory_space<vmem>>
        %dma_wait3A_61 = arith.constant 0 : i32
        %dma_wait3A_62 = arith.constant 0 : i32
        %dma_wait3A_63 = tpu.memref_slice %arg10[%dma_wait3A_61, %dma_wait3A_62] : memref<10112x128xf32, #tpu.memory_space<vmem_shared>> -> memref<10112x128xf32, #tpu.memory_space<vmem_shared>>
        tpu.wait_indirect_dma semaphore(%run_scoped3A : memref<!tpu.dma_semaphore, #tpu.memory_space<semaphore_mem>>) src(%arg9 : memref<80x128xf32, #tpu.memory_space<vmem>>) dst(%dma_wait3A_63 : memref<10112x128xf32, #tpu.memory_space<vmem_shared>>)
        tpu.yield
      }) : () -> ()
    }
    %scan3A_37 = arith.constant 125 : i32
    %barrier3A_38 = arith.constant 0 : index
    tpu.barrier barrier_id(%barrier3A_38)
    "tpu.region"() ({
      %run_scoped3A = tpu.sem_alloc : memref<!tpu.dma_semaphore, #tpu.memory_space<semaphore_mem>>
      %dma_start3A_39 = arith.constant 0 : i32
      %dma_start3A_40 = arith.constant 0 : i32
      %dma_start3A_41 = tpu.memref_slice %arg6[%arg0, %dma_start3A_39, %dma_start3A_40] : memref<2x10112x128xf32, #tpu.memory_space<hbm>> -> memref<1x10112x128xf32, #tpu.memory_space<hbm>>
      %dma_start3A_42 = tpu.memref_squeeze %dma_start3A_41 : memref<1x10112x128xf32, #tpu.memory_space<hbm>> -> memref<10112x128xf32, #tpu.memory_space<hbm>>
      %dma_start3A_43 = arith.constant 0 : i32
      %dma_start3A_44 = tpu.memref_slice %dma_start3A_42[%multiple_of3A, %dma_start3A_43] : memref<10112x128xf32, #tpu.memory_space<hbm>> -> memref<632x128xf32, #tpu.memory_space<hbm>>
      %dma_start3A_45 = arith.constant 0 : i32
      %dma_start3A_46 = tpu.memref_slice %arg10[%multiple_of3A, %dma_start3A_45] : memref<10112x128xf32, #tpu.memory_space<vmem_shared>> -> memref<632x128xf32, #tpu.memory_space<vmem_shared>>
      tpu.enqueue_dma source(%dma_start3A_46 : memref<632x128xf32, #tpu.memory_space<vmem_shared>>) target(%dma_start3A_44 : memref<632x128xf32, #tpu.memory_space<hbm>>) target_semaphore(%run_scoped3A : memref<!tpu.dma_semaphore, #tpu.memory_space<semaphore_mem>>)
      %dma_wait3A_47 = arith.constant 0 : i32
      %dma_wait3A_48 = arith.constant 0 : i32
      %dma_wait3A_49 = tpu.memref_slice %arg6[%arg0, %dma_wait3A_47, %dma_wait3A_48] : memref<2x10112x128xf32, #tpu.memory_space<hbm>> -> memref<1x10112x128xf32, #tpu.memory_space<hbm>>
      %dma_wait3A_50 = tpu.memref_squeeze %dma_wait3A_49 : memref<1x10112x128xf32, #tpu.memory_space<hbm>> -> memref<10112x128xf32, #tpu.memory_space<hbm>>
      %dma_wait3A_51 = arith.constant 0 : i32
      %dma_wait3A_52 = tpu.memref_slice %dma_wait3A_50[%multiple_of3A, %dma_wait3A_51] : memref<10112x128xf32, #tpu.memory_space<hbm>> -> memref<632x128xf32, #tpu.memory_space<hbm>>
      %dma_wait3A_53 = arith.constant 0 : i32
      %dma_wait3A_54 = tpu.memref_slice %arg10[%multiple_of3A, %dma_wait3A_53] : memref<10112x128xf32, #tpu.memory_space<vmem_shared>> -> memref<632x128xf32, #tpu.memory_space<vmem_shared>>
      tpu.wait_dma2 semaphore(%run_scoped3A : memref<!tpu.dma_semaphore, #tpu.memory_space<semaphore_mem>>) src(%dma_wait3A_54 : memref<632x128xf32, #tpu.memory_space<vmem_shared>>) dst(%dma_wait3A_52 : memref<632x128xf32, #tpu.memory_space<hbm>>)
      tpu.yield
    }) : () -> ()
    return
  }
}

#map = affine_map<(d0, d1) -> (0, 0)>
#map1 = affine_map<(d0, d1) -> (0)>
module attributes {stable_mosaic.version = 14 : i64} {
  func.func @gat(%arg0: i32, %arg1: i32, %arg2: memref<2176x128xf32, #tpu.memory_space<hbm>>, %arg3: memref<2176x128xf32, #tpu.memory_space<hbm>>, %arg4: memref<2048xi32, #tpu.memory_space<hbm>>, %arg5: memref<2048x128xf32, #tpu.memory_space<hbm>>, %arg6: memref<64xi32, #tpu.memory_space<vmem>>, %arg7: memref<64x128xf32, #tpu.memory_space<vmem>>, %arg8: memref<64x128xf32, #tpu.memory_space<vmem>>, %arg9: memref<!tpu.dma_semaphore, #tpu.memory_space<semaphore_mem>>) attributes {dimension_semantics = [#tpu.dimension_semantics<core_parallel>, #tpu.dimension_semantics<subcore_parallel>], iteration_bounds = array<i64: 2, 16>, scalar_prefetch = 0 : i64, scratch_operands = 4 : i64, tpu.core_type = #tpu.core_type<sc_vector_subcore>, window_params = [{transform_indices = #map}, {transform_indices = #map}, {transform_indices = #map1}, {transform_indices = #map}]} {
    %mul3A = arith.constant 16 : i32
    %mul3A_0 = arith.muli %arg0, %mul3A : i32
    %add3A = arith.addi %mul3A_0, %arg1 : i32
    %mul3A_1 = arith.constant 64 : i32
    %mul3A_2 = arith.muli %add3A, %mul3A_1 : i32
    %multiple_of3A = tpu.assume_multiple %mul3A_2, 8 : i32
    "tpu.region"() ({
      %run_scoped3A = tpu.sem_alloc : memref<!tpu.dma_semaphore, #tpu.memory_space<semaphore_mem>>
      %dma_start3A_18 = tpu.memref_slice %arg4[%multiple_of3A] : memref<2048xi32, #tpu.memory_space<hbm>> -> memref<64xi32, #tpu.memory_space<hbm>>
      %dma_start3A_19 = tpu.memref_slice %arg4[%multiple_of3A] : memref<2048xi32, #tpu.memory_space<hbm>> -> memref<64xi32, #tpu.memory_space<hbm>>
      tpu.enqueue_dma source(%dma_start3A_19 : memref<64xi32, #tpu.memory_space<hbm>>) target(%arg6 : memref<64xi32, #tpu.memory_space<vmem>>) target_semaphore(%run_scoped3A : memref<!tpu.dma_semaphore, #tpu.memory_space<semaphore_mem>>)
      %dma_wait3A_20 = tpu.memref_slice %arg4[%multiple_of3A] : memref<2048xi32, #tpu.memory_space<hbm>> -> memref<64xi32, #tpu.memory_space<hbm>>
      %dma_wait3A_21 = tpu.memref_slice %arg4[%multiple_of3A] : memref<2048xi32, #tpu.memory_space<hbm>> -> memref<64xi32, #tpu.memory_space<hbm>>
      tpu.wait_dma2 semaphore(%run_scoped3A : memref<!tpu.dma_semaphore, #tpu.memory_space<semaphore_mem>>) src(%dma_wait3A_21 : memref<64xi32, #tpu.memory_space<hbm>>) dst(%arg6 : memref<64xi32, #tpu.memory_space<vmem>>)
      tpu.yield
    }) : () -> ()
    %dma_start3A = arith.constant 0 : i32
    %dma_start3A_3 = arith.constant 0 : i32
    %dma_start3A_4 = tpu.memref_slice %arg2[%dma_start3A, %dma_start3A_3] : memref<2176x128xf32, #tpu.memory_space<hbm>> -> memref<2176x128xf32, #tpu.memory_space<hbm>>
    tpu.enqueue_indirect_dma source(%dma_start3A_4 : memref<2176x128xf32, #tpu.memory_space<hbm>>) target(%arg7 : memref<64x128xf32, #tpu.memory_space<vmem>>) offsets(%arg6 : memref<64xi32, #tpu.memory_space<vmem>>) semaphore(%arg9 : memref<!tpu.dma_semaphore, #tpu.memory_space<semaphore_mem>>)
    %dma_wait3A = arith.constant 0 : i32
    %dma_wait3A_5 = arith.constant 0 : i32
    %dma_wait3A_6 = tpu.memref_slice %arg2[%dma_wait3A, %dma_wait3A_5] : memref<2176x128xf32, #tpu.memory_space<hbm>> -> memref<2176x128xf32, #tpu.memory_space<hbm>>
    tpu.wait_indirect_dma semaphore(%arg9 : memref<!tpu.dma_semaphore, #tpu.memory_space<semaphore_mem>>) src(%dma_wait3A_6 : memref<2176x128xf32, #tpu.memory_space<hbm>>) dst(%arg7 : memref<64x128xf32, #tpu.memory_space<vmem>>)
    %dma_start3A_7 = arith.constant 0 : i32
    %dma_start3A_8 = arith.constant 0 : i32
    %dma_start3A_9 = tpu.memref_slice %arg3[%dma_start3A_7, %dma_start3A_8] : memref<2176x128xf32, #tpu.memory_space<hbm>> -> memref<2176x128xf32, #tpu.memory_space<hbm>>
    tpu.enqueue_indirect_dma source(%dma_start3A_9 : memref<2176x128xf32, #tpu.memory_space<hbm>>) target(%arg8 : memref<64x128xf32, #tpu.memory_space<vmem>>) offsets(%arg6 : memref<64xi32, #tpu.memory_space<vmem>>) semaphore(%arg9 : memref<!tpu.dma_semaphore, #tpu.memory_space<semaphore_mem>>)
    %dma_wait3A_10 = arith.constant 0 : i32
    %dma_wait3A_11 = arith.constant 0 : i32
    %dma_wait3A_12 = tpu.memref_slice %arg3[%dma_wait3A_10, %dma_wait3A_11] : memref<2176x128xf32, #tpu.memory_space<hbm>> -> memref<2176x128xf32, #tpu.memory_space<hbm>>
    tpu.wait_indirect_dma semaphore(%arg9 : memref<!tpu.dma_semaphore, #tpu.memory_space<semaphore_mem>>) src(%dma_wait3A_12 : memref<2176x128xf32, #tpu.memory_space<hbm>>) dst(%arg8 : memref<64x128xf32, #tpu.memory_space<vmem>>)
    %scan3A = arith.constant 0 : i32
    %scan3A_13 = arith.constant 0 : i32
    %scan3A_14 = arith.constant 64 : i32
    %scan3A_15 = arith.addi %scan3A_13, %scan3A_14 : i32
    %scan3A_16 = arith.constant 1 : i32
    scf.for %scan3A_18 = %scan3A_13 to %scan3A_15 step %scan3A_16  : i32 {
      %get3A = arith.index_cast %scan3A_18 : i32 to index
      %get3A_19 = arith.constant 0 : index
      %get3A_20 = tpu.vector_load %arg7[%get3A, %get3A_19] {strides = array<i32>} : memref<64x128xf32, #tpu.memory_space<vmem>>, vector<1x16xf32>,
      %get3A_21 = vector.shape_cast %get3A_20 : vector<1x16xf32> to vector<16xf32>
      %get3A_22 = arith.index_cast %scan3A_18 : i32 to index
      %get3A_23 = arith.constant 0 : index
      %get3A_24 = tpu.vector_load %arg8[%get3A_22, %get3A_23] {strides = array<i32>} : memref<64x128xf32, #tpu.memory_space<vmem>>, vector<1x16xf32>,
      %get3A_25 = vector.shape_cast %get3A_24 : vector<1x16xf32> to vector<16xf32>
      %add3A_26 = arith.addf %get3A_21, %get3A_25 : vector<16xf32>
      %max3A = arith.constant 0.000000e+00 : f32
      %max3A_27 = vector.broadcast %max3A : f32 to vector<16xf32>
      %max3A_28 = arith.maximumf %add3A_26, %max3A_27 : vector<16xf32>
      %swap3A = arith.index_cast %scan3A_18 : i32 to index
      %swap3A_29 = arith.constant 0 : index
      %swap3A_30 = tpu.vector_load %arg7[%swap3A, %swap3A_29] {strides = array<i32>} : memref<64x128xf32, #tpu.memory_space<vmem>>, vector<1x16xf32>,
      %swap3A_31 = vector.shape_cast %swap3A_30 : vector<1x16xf32> to vector<16xf32>
      %swap3A_32 = vector.shape_cast %max3A_28 : vector<16xf32> to vector<1x16xf32>
      tpu.vector_store %arg7[%swap3A, %swap3A_29], %swap3A_32 {strides = array<i32>} : memref<64x128xf32, #tpu.memory_space<vmem>>, vector<1x16xf32>,
      %get3A_33 = arith.index_cast %scan3A_18 : i32 to index
      %get3A_34 = arith.constant 16 : index
      %get3A_35 = tpu.vector_load %arg7[%get3A_33, %get3A_34] {strides = array<i32>} : memref<64x128xf32, #tpu.memory_space<vmem>>, vector<1x16xf32>,
      %get3A_36 = vector.shape_cast %get3A_35 : vector<1x16xf32> to vector<16xf32>
      %get3A_37 = arith.index_cast %scan3A_18 : i32 to index
      %get3A_38 = arith.constant 16 : index
      %get3A_39 = tpu.vector_load %arg8[%get3A_37, %get3A_38] {strides = array<i32>} : memref<64x128xf32, #tpu.memory_space<vmem>>, vector<1x16xf32>,
      %get3A_40 = vector.shape_cast %get3A_39 : vector<1x16xf32> to vector<16xf32>
      %add3A_41 = arith.addf %get3A_36, %get3A_40 : vector<16xf32>
      %max3A_42 = arith.constant 0.000000e+00 : f32
      %max3A_43 = vector.broadcast %max3A_42 : f32 to vector<16xf32>
      %max3A_44 = arith.maximumf %add3A_41, %max3A_43 : vector<16xf32>
      %swap3A_45 = arith.index_cast %scan3A_18 : i32 to index
      %swap3A_46 = arith.constant 16 : index
      %swap3A_47 = tpu.vector_load %arg7[%swap3A_45, %swap3A_46] {strides = array<i32>} : memref<64x128xf32, #tpu.memory_space<vmem>>, vector<1x16xf32>,
      %swap3A_48 = vector.shape_cast %swap3A_47 : vector<1x16xf32> to vector<16xf32>
      %swap3A_49 = vector.shape_cast %max3A_44 : vector<16xf32> to vector<1x16xf32>
      tpu.vector_store %arg7[%swap3A_45, %swap3A_46], %swap3A_49 {strides = array<i32>} : memref<64x128xf32, #tpu.memory_space<vmem>>, vector<1x16xf32>,
      %get3A_50 = arith.index_cast %scan3A_18 : i32 to index
      %get3A_51 = arith.constant 32 : index
      %get3A_52 = tpu.vector_load %arg7[%get3A_50, %get3A_51] {strides = array<i32>} : memref<64x128xf32, #tpu.memory_space<vmem>>, vector<1x16xf32>,
      %get3A_53 = vector.shape_cast %get3A_52 : vector<1x16xf32> to vector<16xf32>
      %get3A_54 = arith.index_cast %scan3A_18 : i32 to index
      %get3A_55 = arith.constant 32 : index
      %get3A_56 = tpu.vector_load %arg8[%get3A_54, %get3A_55] {strides = array<i32>} : memref<64x128xf32, #tpu.memory_space<vmem>>, vector<1x16xf32>,
      %get3A_57 = vector.shape_cast %get3A_56 : vector<1x16xf32> to vector<16xf32>
      %add3A_58 = arith.addf %get3A_53, %get3A_57 : vector<16xf32>
      %max3A_59 = arith.constant 0.000000e+00 : f32
      %max3A_60 = vector.broadcast %max3A_59 : f32 to vector<16xf32>
      %max3A_61 = arith.maximumf %add3A_58, %max3A_60 : vector<16xf32>
      %swap3A_62 = arith.index_cast %scan3A_18 : i32 to index
      %swap3A_63 = arith.constant 32 : index
      %swap3A_64 = tpu.vector_load %arg7[%swap3A_62, %swap3A_63] {strides = array<i32>} : memref<64x128xf32, #tpu.memory_space<vmem>>, vector<1x16xf32>,
      %swap3A_65 = vector.shape_cast %swap3A_64 : vector<1x16xf32> to vector<16xf32>
      %swap3A_66 = vector.shape_cast %max3A_61 : vector<16xf32> to vector<1x16xf32>
      tpu.vector_store %arg7[%swap3A_62, %swap3A_63], %swap3A_66 {strides = array<i32>} : memref<64x128xf32, #tpu.memory_space<vmem>>, vector<1x16xf32>,
      %get3A_67 = arith.index_cast %scan3A_18 : i32 to index
      %get3A_68 = arith.constant 48 : index
      %get3A_69 = tpu.vector_load %arg7[%get3A_67, %get3A_68] {strides = array<i32>} : memref<64x128xf32, #tpu.memory_space<vmem>>, vector<1x16xf32>,
      %get3A_70 = vector.shape_cast %get3A_69 : vector<1x16xf32> to vector<16xf32>
      %get3A_71 = arith.index_cast %scan3A_18 : i32 to index
      %get3A_72 = arith.constant 48 : index
      %get3A_73 = tpu.vector_load %arg8[%get3A_71, %get3A_72] {strides = array<i32>} : memref<64x128xf32, #tpu.memory_space<vmem>>, vector<1x16xf32>,
      %get3A_74 = vector.shape_cast %get3A_73 : vector<1x16xf32> to vector<16xf32>
      %add3A_75 = arith.addf %get3A_70, %get3A_74 : vector<16xf32>
      %max3A_76 = arith.constant 0.000000e+00 : f32
      %max3A_77 = vector.broadcast %max3A_76 : f32 to vector<16xf32>
      %max3A_78 = arith.maximumf %add3A_75, %max3A_77 : vector<16xf32>
      %swap3A_79 = arith.index_cast %scan3A_18 : i32 to index
      %swap3A_80 = arith.constant 48 : index
      %swap3A_81 = tpu.vector_load %arg7[%swap3A_79, %swap3A_80] {strides = array<i32>} : memref<64x128xf32, #tpu.memory_space<vmem>>, vector<1x16xf32>,
      %swap3A_82 = vector.shape_cast %swap3A_81 : vector<1x16xf32> to vector<16xf32>
      %swap3A_83 = vector.shape_cast %max3A_78 : vector<16xf32> to vector<1x16xf32>
      tpu.vector_store %arg7[%swap3A_79, %swap3A_80], %swap3A_83 {strides = array<i32>} : memref<64x128xf32, #tpu.memory_space<vmem>>, vector<1x16xf32>,
      %get3A_84 = arith.index_cast %scan3A_18 : i32 to index
      %get3A_85 = arith.constant 64 : index
      %get3A_86 = tpu.vector_load %arg7[%get3A_84, %get3A_85] {strides = array<i32>} : memref<64x128xf32, #tpu.memory_space<vmem>>, vector<1x16xf32>,
      %get3A_87 = vector.shape_cast %get3A_86 : vector<1x16xf32> to vector<16xf32>
      %get3A_88 = arith.index_cast %scan3A_18 : i32 to index
      %get3A_89 = arith.constant 64 : index
      %get3A_90 = tpu.vector_load %arg8[%get3A_88, %get3A_89] {strides = array<i32>} : memref<64x128xf32, #tpu.memory_space<vmem>>, vector<1x16xf32>,
      %get3A_91 = vector.shape_cast %get3A_90 : vector<1x16xf32> to vector<16xf32>
      %add3A_92 = arith.addf %get3A_87, %get3A_91 : vector<16xf32>
      %max3A_93 = arith.constant 0.000000e+00 : f32
      %max3A_94 = vector.broadcast %max3A_93 : f32 to vector<16xf32>
      %max3A_95 = arith.maximumf %add3A_92, %max3A_94 : vector<16xf32>
      %swap3A_96 = arith.index_cast %scan3A_18 : i32 to index
      %swap3A_97 = arith.constant 64 : index
      %swap3A_98 = tpu.vector_load %arg7[%swap3A_96, %swap3A_97] {strides = array<i32>} : memref<64x128xf32, #tpu.memory_space<vmem>>, vector<1x16xf32>,
      %swap3A_99 = vector.shape_cast %swap3A_98 : vector<1x16xf32> to vector<16xf32>
      %swap3A_100 = vector.shape_cast %max3A_95 : vector<16xf32> to vector<1x16xf32>
      tpu.vector_store %arg7[%swap3A_96, %swap3A_97], %swap3A_100 {strides = array<i32>} : memref<64x128xf32, #tpu.memory_space<vmem>>, vector<1x16xf32>,
      %get3A_101 = arith.index_cast %scan3A_18 : i32 to index
      %get3A_102 = arith.constant 80 : index
      %get3A_103 = tpu.vector_load %arg7[%get3A_101, %get3A_102] {strides = array<i32>} : memref<64x128xf32, #tpu.memory_space<vmem>>, vector<1x16xf32>,
      %get3A_104 = vector.shape_cast %get3A_103 : vector<1x16xf32> to vector<16xf32>
      %get3A_105 = arith.index_cast %scan3A_18 : i32 to index
      %get3A_106 = arith.constant 80 : index
      %get3A_107 = tpu.vector_load %arg8[%get3A_105, %get3A_106] {strides = array<i32>} : memref<64x128xf32, #tpu.memory_space<vmem>>, vector<1x16xf32>,
      %get3A_108 = vector.shape_cast %get3A_107 : vector<1x16xf32> to vector<16xf32>
      %add3A_109 = arith.addf %get3A_104, %get3A_108 : vector<16xf32>
      %max3A_110 = arith.constant 0.000000e+00 : f32
      %max3A_111 = vector.broadcast %max3A_110 : f32 to vector<16xf32>
      %max3A_112 = arith.maximumf %add3A_109, %max3A_111 : vector<16xf32>
      %swap3A_113 = arith.index_cast %scan3A_18 : i32 to index
      %swap3A_114 = arith.constant 80 : index
      %swap3A_115 = tpu.vector_load %arg7[%swap3A_113, %swap3A_114] {strides = array<i32>} : memref<64x128xf32, #tpu.memory_space<vmem>>, vector<1x16xf32>,
      %swap3A_116 = vector.shape_cast %swap3A_115 : vector<1x16xf32> to vector<16xf32>
      %swap3A_117 = vector.shape_cast %max3A_112 : vector<16xf32> to vector<1x16xf32>
      tpu.vector_store %arg7[%swap3A_113, %swap3A_114], %swap3A_117 {strides = array<i32>} : memref<64x128xf32, #tpu.memory_space<vmem>>, vector<1x16xf32>,
      %get3A_118 = arith.index_cast %scan3A_18 : i32 to index
      %get3A_119 = arith.constant 96 : index
      %get3A_120 = tpu.vector_load %arg7[%get3A_118, %get3A_119] {strides = array<i32>} : memref<64x128xf32, #tpu.memory_space<vmem>>, vector<1x16xf32>,
      %get3A_121 = vector.shape_cast %get3A_120 : vector<1x16xf32> to vector<16xf32>
      %get3A_122 = arith.index_cast %scan3A_18 : i32 to index
      %get3A_123 = arith.constant 96 : index
      %get3A_124 = tpu.vector_load %arg8[%get3A_122, %get3A_123] {strides = array<i32>} : memref<64x128xf32, #tpu.memory_space<vmem>>, vector<1x16xf32>,
      %get3A_125 = vector.shape_cast %get3A_124 : vector<1x16xf32> to vector<16xf32>
      %add3A_126 = arith.addf %get3A_121, %get3A_125 : vector<16xf32>
      %max3A_127 = arith.constant 0.000000e+00 : f32
      %max3A_128 = vector.broadcast %max3A_127 : f32 to vector<16xf32>
      %max3A_129 = arith.maximumf %add3A_126, %max3A_128 : vector<16xf32>
      %swap3A_130 = arith.index_cast %scan3A_18 : i32 to index
      %swap3A_131 = arith.constant 96 : index
      %swap3A_132 = tpu.vector_load %arg7[%swap3A_130, %swap3A_131] {strides = array<i32>} : memref<64x128xf32, #tpu.memory_space<vmem>>, vector<1x16xf32>,
      %swap3A_133 = vector.shape_cast %swap3A_132 : vector<1x16xf32> to vector<16xf32>
      %swap3A_134 = vector.shape_cast %max3A_129 : vector<16xf32> to vector<1x16xf32>
      tpu.vector_store %arg7[%swap3A_130, %swap3A_131], %swap3A_134 {strides = array<i32>} : memref<64x128xf32, #tpu.memory_space<vmem>>, vector<1x16xf32>,
      %get3A_135 = arith.index_cast %scan3A_18 : i32 to index
      %get3A_136 = arith.constant 112 : index
      %get3A_137 = tpu.vector_load %arg7[%get3A_135, %get3A_136] {strides = array<i32>} : memref<64x128xf32, #tpu.memory_space<vmem>>, vector<1x16xf32>,
      %get3A_138 = vector.shape_cast %get3A_137 : vector<1x16xf32> to vector<16xf32>
      %get3A_139 = arith.index_cast %scan3A_18 : i32 to index
      %get3A_140 = arith.constant 112 : index
      %get3A_141 = tpu.vector_load %arg8[%get3A_139, %get3A_140] {strides = array<i32>} : memref<64x128xf32, #tpu.memory_space<vmem>>, vector<1x16xf32>,
      %get3A_142 = vector.shape_cast %get3A_141 : vector<1x16xf32> to vector<16xf32>
      %add3A_143 = arith.addf %get3A_138, %get3A_142 : vector<16xf32>
      %max3A_144 = arith.constant 0.000000e+00 : f32
      %max3A_145 = vector.broadcast %max3A_144 : f32 to vector<16xf32>
      %max3A_146 = arith.maximumf %add3A_143, %max3A_145 : vector<16xf32>
      %swap3A_147 = arith.index_cast %scan3A_18 : i32 to index
      %swap3A_148 = arith.constant 112 : index
      %swap3A_149 = tpu.vector_load %arg7[%swap3A_147, %swap3A_148] {strides = array<i32>} : memref<64x128xf32, #tpu.memory_space<vmem>>, vector<1x16xf32>,
      %swap3A_150 = vector.shape_cast %swap3A_149 : vector<1x16xf32> to vector<16xf32>
      %swap3A_151 = vector.shape_cast %max3A_146 : vector<16xf32> to vector<1x16xf32>
      tpu.vector_store %arg7[%swap3A_147, %swap3A_148], %swap3A_151 {strides = array<i32>} : memref<64x128xf32, #tpu.memory_space<vmem>>, vector<1x16xf32>,
    }
    %scan3A_17 = arith.constant 64 : i32
    "tpu.region"() ({
      %run_scoped3A = tpu.sem_alloc : memref<!tpu.dma_semaphore, #tpu.memory_space<semaphore_mem>>
      %dma_start3A_18 = arith.constant 0 : i32
      %dma_start3A_19 = tpu.memref_slice %arg5[%multiple_of3A, %dma_start3A_18] : memref<2048x128xf32, #tpu.memory_space<hbm>> -> memref<64x128xf32, #tpu.memory_space<hbm>>
      %dma_start3A_20 = arith.constant 0 : i32
      %dma_start3A_21 = tpu.memref_slice %arg5[%multiple_of3A, %dma_start3A_20] : memref<2048x128xf32, #tpu.memory_space<hbm>> -> memref<64x128xf32, #tpu.memory_space<hbm>>
      tpu.enqueue_dma source(%arg7 : memref<64x128xf32, #tpu.memory_space<vmem>>) target(%dma_start3A_21 : memref<64x128xf32, #tpu.memory_space<hbm>>) target_semaphore(%run_scoped3A : memref<!tpu.dma_semaphore, #tpu.memory_space<semaphore_mem>>)
      %dma_wait3A_22 = arith.constant 0 : i32
      %dma_wait3A_23 = tpu.memref_slice %arg5[%multiple_of3A, %dma_wait3A_22] : memref<2048x128xf32, #tpu.memory_space<hbm>> -> memref<64x128xf32, #tpu.memory_space<hbm>>
      %dma_wait3A_24 = arith.constant 0 : i32
      %dma_wait3A_25 = tpu.memref_slice %arg5[%multiple_of3A, %dma_wait3A_24] : memref<2048x128xf32, #tpu.memory_space<hbm>> -> memref<64x128xf32, #tpu.memory_space<hbm>>
      tpu.wait_dma2 semaphore(%run_scoped3A : memref<!tpu.dma_semaphore, #tpu.memory_space<semaphore_mem>>) src(%arg7 : memref<64x128xf32, #tpu.memory_space<vmem>>) dst(%dma_wait3A_25 : memref<64x128xf32, #tpu.memory_space<hbm>>)
      tpu.yield
    }) : () -> ()
    return
  }
}

module attributes {stable_mosaic.version = 14 : i64} {
  func.func @_mm_kernel(%arg0: i32, %arg1: memref<632x128xf32, #tpu.memory_space<vmem>>, %arg2: memref<128x128xf32, #tpu.memory_space<vmem>>, %arg3: memref<632x128xf32, #tpu.memory_space<vmem>>) attributes {dimension_semantics = [#tpu.dimension_semantics<arbitrary>], iteration_bounds = array<i64: 16>, scalar_prefetch = 0 : i64, scratch_operands = 0 : i64, tpu.core_type = #tpu.core_type<tc>, window_params = [{transform_indices = @transform_0, window_bounds = array<i64: 632, 128>}, {pipeline_mode = #tpu.pipeline_mode<synchronous>, transform_indices = @transform_1, window_bounds = array<i64: 128, 128>}, {transform_indices = @transform_2, window_bounds = array<i64: 632, 128>}]} {
    %get3A = arith.constant 0 : index
    %get3A_0 = arith.constant 0 : index
    %get3A_1 = vector.load %arg1[%get3A, %get3A_0] : memref<632x128xf32, #tpu.memory_space<vmem>>, vector<632x128xf32>
    %get3A_2 = arith.constant 0 : index
    %get3A_3 = arith.constant 0 : index
    %get3A_4 = vector.load %arg2[%get3A_2, %get3A_3] : memref<128x128xf32, #tpu.memory_space<vmem>>, vector<128x128xf32>
    %dot_general3A = arith.constant dense<0.000000e+00> : vector<632x128xf32>
    %dot_general3A_5 = tpu.matmul %get3A_1, %get3A_4, %dot_general3A {dimension_numbers = #tpu.dot_dimension_numbers<[1], [0], [0], [1], [0, 0, 1, 1], [], []>, transpose_lhs_hint = false} : vector<632x128xf32>, vector<128x128xf32>, vector<632x128xf32> -> vector<632x128xf32>
    %swap3A = arith.constant 0 : index
    %swap3A_6 = arith.constant 0 : index
    %swap3A_7 = vector.load %arg3[%swap3A, %swap3A_6] : memref<632x128xf32, #tpu.memory_space<vmem>>, vector<632x128xf32>
    tpu.vector_store %arg3[%swap3A, %swap3A_6], %dot_general3A_5 {strides = array<i32>} : memref<632x128xf32, #tpu.memory_space<vmem>>, vector<632x128xf32>,
    return
  }
  func.func @transform_0(%arg0: i32) -> (i32, i32) {
    %c0_i32 = arith.constant 0 : i32
    %c0_i32_0 = arith.constant 0 : i32
    return %arg0, %c0_i32 : i32, i32
  }
  func.func @transform_1(%arg0: i32) -> (i32, i32) {
    %c0_i32 = arith.constant 0 : i32
    %c0_i32_0 = arith.constant 0 : i32
    %c0_i32_1 = arith.constant 0 : i32
    return %c0_i32, %c0_i32_0 : i32, i32
  }
  func.func @transform_2(%arg0: i32) -> (i32, i32) {
    %c0_i32 = arith.constant 0 : i32
    %c0_i32_0 = arith.constant 0 : i32
    return %arg0, %c0_i32 : i32, i32
  }
}

module attributes {stable_mosaic.version = 14 : i64} {
  func.func @_mm2_kernel(%arg0: i32, %arg1: memref<632x128xf32, #tpu.memory_space<vmem>>, %arg2: memref<632x128xf32, #tpu.memory_space<vmem>>, %arg3: memref<128x128xf32, #tpu.memory_space<vmem>>, %arg4: memref<632x128xf32, #tpu.memory_space<vmem>>) attributes {dimension_semantics = [#tpu.dimension_semantics<arbitrary>], iteration_bounds = array<i64: 16>, scalar_prefetch = 0 : i64, scratch_operands = 0 : i64, tpu.core_type = #tpu.core_type<tc>, window_params = [{transform_indices = @transform_0, window_bounds = array<i64: 632, 128>}, {transform_indices = @transform_1, window_bounds = array<i64: 632, 128>}, {pipeline_mode = #tpu.pipeline_mode<synchronous>, transform_indices = @transform_2, window_bounds = array<i64: 128, 128>}, {transform_indices = @transform_3, window_bounds = array<i64: 632, 128>}]} {
    %get3A = arith.constant 0 : index
    %get3A_0 = arith.constant 0 : index
    %get3A_1 = vector.load %arg1[%get3A, %get3A_0] : memref<632x128xf32, #tpu.memory_space<vmem>>, vector<632x128xf32>
    %get3A_2 = arith.constant 0 : index
    %get3A_3 = arith.constant 0 : index
    %get3A_4 = vector.load %arg2[%get3A_2, %get3A_3] : memref<632x128xf32, #tpu.memory_space<vmem>>, vector<632x128xf32>
    %add3A = arith.addf %get3A_1, %get3A_4 : vector<632x128xf32>
    %get3A_5 = arith.constant 0 : index
    %get3A_6 = arith.constant 0 : index
    %get3A_7 = vector.load %arg3[%get3A_5, %get3A_6] : memref<128x128xf32, #tpu.memory_space<vmem>>, vector<128x128xf32>
    %dot_general3A = arith.constant dense<0.000000e+00> : vector<632x128xf32>
    %dot_general3A_8 = tpu.matmul %add3A, %get3A_7, %dot_general3A {dimension_numbers = #tpu.dot_dimension_numbers<[1], [0], [0], [1], [0, 0, 1, 1], [], []>, transpose_lhs_hint = false} : vector<632x128xf32>, vector<128x128xf32>, vector<632x128xf32> -> vector<632x128xf32>
    %swap3A = arith.constant 0 : index
    %swap3A_9 = arith.constant 0 : index
    %swap3A_10 = vector.load %arg4[%swap3A, %swap3A_9] : memref<632x128xf32, #tpu.memory_space<vmem>>, vector<632x128xf32>
    tpu.vector_store %arg4[%swap3A, %swap3A_9], %dot_general3A_8 {strides = array<i32>} : memref<632x128xf32, #tpu.memory_space<vmem>>, vector<632x128xf32>,
    return
  }
  func.func @transform_0(%arg0: i32) -> (i32, i32) {
    %c0_i32 = arith.constant 0 : i32
    %c0_i32_0 = arith.constant 0 : i32
    return %arg0, %c0_i32 : i32, i32
  }
  func.func @transform_1(%arg0: i32) -> (i32, i32) {
    %c0_i32 = arith.constant 0 : i32
    %c0_i32_0 = arith.constant 0 : i32
    return %arg0, %c0_i32 : i32, i32
  }
  func.func @transform_2(%arg0: i32) -> (i32, i32) {
    %c0_i32 = arith.constant 0 : i32
    %c0_i32_0 = arith.constant 0 : i32
    %c0_i32_1 = arith.constant 0 : i32
    return %c0_i32, %c0_i32_0 : i32, i32
  }
  func.func @transform_3(%arg0: i32) -> (i32, i32) {
    %c0_i32 = arith.constant 0 : i32
    %c0_i32_0 = arith.constant 0 : i32
    return %arg0, %c0_i32 : i32, i32
  }
}

module attributes {stable_mosaic.version = 14 : i64} {
  func.func @_zzt_kernel(%arg0: i32, %arg1: memref<256x128xf32, #tpu.memory_space<vmem>>, %arg2: memref<2048x128xf32, #tpu.memory_space<vmem>>, %arg3: memref<256x2048xf32, #tpu.memory_space<vmem>>) attributes {dimension_semantics = [#tpu.dimension_semantics<arbitrary>], iteration_bounds = array<i64: 8>, scalar_prefetch = 0 : i64, scratch_operands = 0 : i64, tpu.core_type = #tpu.core_type<tc>, window_params = [{transform_indices = @transform_0, window_bounds = array<i64: 256, 128>}, {pipeline_mode = #tpu.pipeline_mode<synchronous>, transform_indices = @transform_1, window_bounds = array<i64: 2048, 128>}, {transform_indices = @transform_2, window_bounds = array<i64: 256, 2048>}]} {
    %get3A = arith.constant 0 : index
    %get3A_0 = arith.constant 0 : index
    %get3A_1 = vector.load %arg1[%get3A, %get3A_0] : memref<256x128xf32, #tpu.memory_space<vmem>>, vector<256x128xf32>
    %get3A_2 = arith.constant 0 : index
    %get3A_3 = arith.constant 0 : index
    %get3A_4 = vector.load %arg2[%get3A_2, %get3A_3] : memref<2048x128xf32, #tpu.memory_space<vmem>>, vector<2048x128xf32>
    %dot_general3A = arith.constant dense<0.000000e+00> : vector<256x2048xf32>
    %dot_general3A_5 = tpu.matmul %get3A_1, %get3A_4, %dot_general3A {dimension_numbers = #tpu.dot_dimension_numbers<[1], [1], [0], [0], [0, 0, 1, 0], [], []>, transpose_lhs_hint = false} : vector<256x128xf32>, vector<2048x128xf32>, vector<256x2048xf32> -> vector<256x2048xf32>
    %swap3A = arith.constant 0 : index
    %swap3A_6 = arith.constant 0 : index
    %swap3A_7 = vector.load %arg3[%swap3A, %swap3A_6] : memref<256x2048xf32, #tpu.memory_space<vmem>>, vector<256x2048xf32>
    tpu.vector_store %arg3[%swap3A, %swap3A_6], %dot_general3A_5 {strides = array<i32>} : memref<256x2048xf32, #tpu.memory_space<vmem>>, vector<256x2048xf32>,
    return
  }
  func.func @transform_0(%arg0: i32) -> (i32, i32) {
    %c0_i32 = arith.constant 0 : i32
    %c0_i32_0 = arith.constant 0 : i32
    return %arg0, %c0_i32 : i32, i32
  }
  func.func @transform_1(%arg0: i32) -> (i32, i32) {
    %c0_i32 = arith.constant 0 : i32
    %c0_i32_0 = arith.constant 0 : i32
    %c0_i32_1 = arith.constant 0 : i32
    return %c0_i32, %c0_i32_0 : i32, i32
  }
  func.func @transform_2(%arg0: i32) -> (i32, i32) {
    %c0_i32 = arith.constant 0 : i32
    %c0_i32_0 = arith.constant 0 : i32
    return %arg0, %c0_i32 : i32, i32
  }
}

</mosaic_0001>

<sc_bundles>
// kernel: kernel.11.cloned.1.call-start
scs
__scs_entry_jumppad:
0x0: {  	(pc) =	sbr.rel $0x88, $3  }
0x1: {  	(tag) =	ssettag $0x0;
	lr =	simm.s32 $0x1  }
0x2: {  	[smem:$0x3F9C] =	sst lr;
	_ =	strace $0xD0000000  }
0x3: {  	_ = 	snop  }
0x4: {  	_ = 	snop  }
0x5: {  	_ = 	snop  }
0x6: {  	_ = 	snop  }
0x7: {  	_ = 	snop  }
__scs_overlays_trampoline_lowered:
0x8: {  	[smem:$0x3FAB] =	sst s0  }
0x9: {  	[smem:$0x3FAC] =	sst s1  }
0xa: {  	[smem:$0x3FAD] =	sst s2  }
0xb: {  	[smem:$0x3FAE] =	sst s3  }
0xc: {  	[smem:$0x3FAF] =	sst s4  }
0xd: {  	[smem:$0x3FB0] =	sst s5  }
0xe: {  	[smem:$0x3FB1] =	sst s6  }
0xf: {  	[smem:$0x3FB2] =	sst s7  }
0x10: {  	[smem:$0x3FB3] =	sst s8  }
0x11: {  	[smem:$0x3FB4] =	sst s9;
	s0 =	simm.s32 @!p0 $0x0  }
0x12: {  	s1 =	sld [smem:$0x3F9A];
	s0 =	simm.s32 @p0 $0x1  }
0x13: {  	[smem:$0x3FB5] =	sst s0;
	s0 =	simm.s32 @!p1 $0x0  }
0x14: {  	s2 =	sld [smem:$0x3F99];
	s0 =	simm.s32 @p1 $0x1  }
0x15: {  	[smem:$0x3FB6] =	sst s0;
	s0 =	simm.s32 @!p2 $0x0  }
0x16: {  	s3 =	sld [smem:$0x3FDB];
	s0 =	simm.s32 @p2 $0x1  }
0x17: {  	s4 =	simm.s32 $0x1BF5;
	[smem:$0x3FB8] =	sst s0  }
0x18: {  	s0 =	sld [smem:$0x3F9B];
	_ =	swait.ge [sflag:s4], $0x0  }
0x19: {  	s7 =	sld [smem:$0x3F9C]  }
0x1a: {  	s8 =	sadd.s32 $0xFFFFE003, lr  }
0x1b: {  	s9 =	sadd.s32 $0xFFFFFEF7, lr;
	s5 =	simm.s32 $0xFFFFFFFF;
	p2 =	slt.u32 s8, $0xFFFFF086  }
0x1c: {  	p1 =	slt.u32 s9, $0xF7A;
	s5 =	simm.s32 @!p2 $0x0  }
0x1d: {  	s5 =	simm.s32 @p1 $0x1;
	p0 =	seq.s32 s7, s2  }
0x1e: {  	s7 =	smul.u32 @!p0 $0xF7A, s2;
	p2 =	seq.s32 @!p0 s5, $0x0  }
0x1f: {  	s9 =	smul.u32 $0xF7A, s1;
	s8 =	simm.s32 @!p0 $0x1BF5;
	p2 =	por !p2, p0  }
0x20: {  	[sflag:s8] =	ssyncset.s32 @!p0 $0xFFFFF086;
	s6 =	sadd.s32 @!p0 s3, s7;
	s7 =	simm.s32 @!p0 $0x108  }
0x21: {  	s3 =	sadd.s32 s3, s9;
	s6 =	sadd.s32 @!p0 $0x88, s6;
	s7 =	simm.s32 @p2 $0x1082  }
0x22: {  	[simem:s7], [sflag:s8] =	dma.local @!p0 [hbm:s6], $0xF7A  }
0x23: {  	s9 =	sor.u32 $0xD0000000, s2;
	s6 =	simm.s32 $0x108;
	_ =	swait.ge @!p0 [sflag:s8], $0x0  }
0x24: {  	s3 =	sadd.s32 $0x88, s3;
	s6 =	simm.s32 @!p1 $0x1082;
	[sflag:s4] =	ssyncset.s32 $0xFFFFF086  }
0x25: {  	[simem:s6], [sflag:s4] =	dma.local [hbm:s3], $0xF7A  }
0x26: {  	[smem:$0x3F9C] =	sst s1;
	(tag) =	ssettag s2;
	_ =	strace s9  }
0x27: {  	s1 =	sld [smem:$0x3FAC]  }
0x28: {  	s2 =	sld [smem:$0x3FAD]  }
0x29: {  	s4 =	sld [smem:$0x3FAF]  }
0x2a: {  	p0 =	seq.s32 s5, $0x0;
	s5 =	sld [smem:$0x3FB0]  }
0x2b: {  	s6 =	sld [smem:$0x3FB1]  }
0x2c: {  	s7 =	sld [smem:$0x3FB2]  }
0x2d: {  	s3 =	simm.s32 $0x108;
	s8 =	sld [smem:$0x3FB3]  }
0x2e: {  	s3 =	simm.s32 @!p0 $0x1082;
	s9 =	sld [smem:$0x3FB4]  }
0x2f: {  	lr =	sadd.s32 s0, s3;
	s0 =	sld [smem:$0x3FAB]  }
0x30: {  	s3 =	sld [smem:$0x3FAE]  }
0x31: {  	[smem:$0x3FB7] =	sst s10  }
0x32: {  	s10 =	sld [smem:$0x3FB5];
	_ =	sdelay $0x3  }
0x33: {  	p0 =	seq.s32 s10, $0x1;
	s10 =	sld [smem:$0x3FB7];
	_ =	sdelay $0x3  }
0x34: {  	[smem:$0x3FB7] =	sst s10  }
0x35: {  	s10 =	sld [smem:$0x3FB6];
	_ =	sdelay $0x3  }
0x36: {  	p1 =	seq.s32 s10, $0x1;
	s10 =	sld [smem:$0x3FB7];
	_ =	sdelay $0x3  }
0x37: {  	[smem:$0x3FB7] =	sst s10  }
0x38: {  	s10 =	sld [smem:$0x3FB8]  }
0x39: {  	_ = 	snop;
	(pc) =	sbr.ind lr, $3  }
0x3a: {  	_ = 	snop  }
0x3b: {  	_ = 	snop  }
0x3c: {  	p2 =	seq.s32 s10, $0x1;
	s10 =	sld [smem:$0x3FB7]  }
0x3d: {  	_ =	shalt  }
0x3e: {  	_ =	shalt  }
0x3f: {  	_ =	shalt  }
0x40: {  	_ =	shalt  }
0x41: {  	_ =	shalt  }
0x42: {  	_ =	shalt  }
0x43: {  	_ =	shalt  }
0x44: {  	_ =	shalt  }
0x45: {  	_ =	shalt  }
0x46: {  	_ =	shalt  }
0x47: {  	_ =	shalt  }
0x48: {  	_ =	shalt  }
0x49: {  	_ =	shalt  }
0x4a: {  	_ =	shalt  }
0x4b: {  	_ =	shalt  }
0x4c: {  	_ =	shalt  }
0x4d: {  	_ =	shalt  }
0x4e: {  	_ =	shalt  }
0x4f: {  	_ =	shalt  }
0x50: {  	_ =	shalt  }
0x51: {  	_ =	shalt  }
0x52: {  	_ =	shalt  }
0x53: {  	_ =	shalt  }
0x54: {  	_ =	shalt  }
0x55: {  	_ =	shalt  }
0x56: {  	_ =	shalt  }
0x57: {  	_ =	shalt  }
0x58: {  	_ =	shalt  }
0x59: {  	_ =	shalt  }
0x5a: {  	_ =	shalt  }
0x5b: {  	_ =	shalt  }
0x5c: {  	_ =	shalt  }
0x5d: {  	_ =	shalt  }
0x5e: {  	_ =	shalt  }
0x5f: {  	_ =	shalt  }
0x60: {  	_ =	shalt  }
0x61: {  	_ =	shalt  }
0x62: {  	_ =	shalt  }
0x63: {  	_ =	shalt  }
0x64: {  	_ =	shalt  }
0x65: {  	_ =	shalt  }
0x66: {  	_ =	shalt  }
0x67: {  	_ =	shalt  }
0x68: {  	_ =	shalt  }
0x69: {  	_ =	shalt  }
0x6a: {  	_ =	shalt  }
0x6b: {  	_ =	shalt  }
0x6c: {  	_ =	shalt  }
0x6d: {  	_ =	shalt  }
0x6e: {  	_ =	shalt  }
0x6f: {  	_ =	shalt  }
0x70: {  	_ =	shalt  }
0x71: {  	_ =	shalt  }
0x72: {  	_ =	shalt  }
0x73: {  	_ =	shalt  }
0x74: {  	_ =	shalt  }
0x75: {  	_ =	shalt  }
0x76: {  	_ =	shalt  }
0x77: {  	_ =	shalt  }
0x78: {  	_ =	shalt  }
0x79: {  	_ =	shalt  }
0x7a: {  	_ =	shalt  }
0x7b: {  	_ =	shalt  }
0x7c: {  	_ =	shalt  }
0x7d: {  	_ =	shalt  }
0x7e: {  	_ =	shalt  }
0x7f: {  	_ =	shalt  }
0x80: {  	_ =	shalt  }
0x81: {  	_ =	shalt  }
0x82: {  	_ =	shalt  }
0x83: {  	_ =	shalt  }
0x84: {  	_ =	shalt  }
0x85: {  	_ =	shalt  }
0x86: {  	_ =	shalt  }
0x87: {  	_ =	shalt  }
.Lfunc_end0:
.L_simem_size_0:
called_computation.1_lowered:
.L_overlay_start_0:
0x88: {  	s2 =	sld [smem:$0x3FD9]  }
0x89: {  	s3 =	sld [smem:$0x3FFE];
	_ =	sdelay $0x1  }
0x8a: {  	s1 =	srdreg.scid  }
0x8b: {  	s0 =	sand.u32 $0x1, s1  }
0x8c: {  	s17 =	sshll.u32 s0, $0xA;
	s2 =	sadd.s32 s3, s2  }
0x8d: {  	s2 =	sadd.s32 s2, s17  }
0x8e: {  	[smem:$0x3FC3] =	sst s2  }
0x8f: {  	_ = 	snop  }
0x90: {  	s2 =	sld [smem:$0x3FC7]  }
0x91: {  	s18 =	sld [smem:$0x3FD0];
	(tm) =	ssettm $0x1  }
0x92: {  	s4 =	sld [smem:$0x3FFB];
	_ =	sdelay $0x3  }
0x93: {  	_ =	strace s4  }
0x94: {  	s4 =	sld [smem:$0x3FFC];
	_ =	sdelay $0x3  }
0x95: {  	_ =	strace s4  }
0x96: {  	s4 =	sld [smem:$0x3FFD];
	_ =	sdelay $0x3  }
0x97: {  	_ =	strace s4  }
0x98: {  	_ =	strace $0x8FFFFFFF  }
0x99: {  	s19 =	sld [smem:$0x3FDB];
	_ =	sdelay $0x1  }
0x9a: {  	s5 =	simm.s32 $_scs_section_size  }
0x9b: {  	s6 =	simm.s32 $_size__tile_overlayer_lowered;
	s7 =	simm.s32 $_tile_overlayer_lowered  }
0x9c: {  	s22 =	simm.s32 $0x1BFF;
	s21 =	sshll.u32 s7, $0x1;
	s4 =	sadd.s32 s5, s19  }
0x9d: {  	s8 =	simm.s32 $0x0;
	s20 =	sshll.u32 s6, $0x1;
	s6 =	sadd.s32 s21, s4  }
0x9e: {  	[timem:s8], [sflag:s22] =	dma.local [hbm:s6], s20  }
0x9f: {  	_ =	swait.ge [sflag:s22], s20  }
0xa0: {  	s5 =	ssub.s32 $0x0, s20;
	[sflag:s22] =	ssyncset.done $0x0  }
0xa1: {  	[sflag:s22] =	ssyncadd.s32 s5;
	_ =	sdelay $0x1  }
0xa2: {  	s23 =	simm.s32 $0x1B8B  }
0xa3: {  	_ =	swait.ge [sflag:s23], $0x1  }
0xa4: {  	[sflag:s23] =	ssyncset.done $0x0  }
0xa5: {  	s25 =	simm.s32 $0x1B8E;
	s24 =	sld [smem:$0x3FFE];
	[sflag:s23] =	ssyncadd.s32 $0xFFFFFFFF  }
0xa6: {  	s26 =	simm.s32 $execute0_lowered;
	[smem:$0x3FD2] =	sst s25  }
0xa7: {  	s6 =	sshll.u32 s26, $0x1;
	_ =	strace $0x80000049;
	[dreg:$0x1] =	wrdreg $0xFFFFFFFF  }
0xa8: {  	s28 =	simm.s32 $_size_execute0_lowered;
	s4 =	sadd.s32 s4, s6;
	[dreg:$0x0] =	wrdreg $0x0  }
0xa9: {  	s6 =	sshll.u32 s28, $0x1;
	[dreg:$0x2] =	wrdreg s4  }
0xaa: {  	[dreg:$0x3] =	wrdreg s6  }
0xab: {  	[dreg:$0x4] =	wrdreg $0xC0  }
0xac: {  	_ =	task [dreg:s8], $0x5FFFF  }
0xad: {  	[dreg:$0x1] =	wrdreg $0xFFFFFFFF  }
0xae: {  	[dreg:$0x0] =	wrdreg $0x60  }
0xaf: {  	[dreg:$0x2] =	wrdreg s18  }
0xb0: {  	[dreg:$0x3] =	wrdreg s24  }
0xb1: {  	[dreg:$0x4] =	wrdreg s2  }
0xb2: {  	[dreg:$0x5] =	wrdreg $0x127800  }
0xb3: {  	[dreg:$0x6] =	wrdreg $0x9  }
0xb4: {  	_ =	task.clear_ibuf [dreg:s8], $0x7FFFF;
	_ =	strace $0x90000049  }
0xb5: {  	s29 =	simm.s32 $0x9;
	_ =	strace $0x8000004B  }
0xb6: {  	_ =	swait.ge [sflag:s29], $0x1  }
0xb7: {  	[sflag:s29] =	ssyncadd.s32 $0xFFFFFFFF  }
0xb8: {  	_ =	strace $0x9000004B  }
0xb9: {  	_ =	sfence  }
0xba: {  	s30 =	sld [smem:$0x0];
	_ =	sdelay $0x2  }
0xbb: {  	s31 =	sshll.u32 s1, $0xD;
	s1 =	sshrl.u32 s1, $0x2  }
0xbc: {  	s3 =	sand.u32 $0x4000, s31;
	s1 =	sadd.s32 s1, s30  }
0xbd: {  	s0 =	sor.u32 s3, s0;
	s1 =	sshll.u32 s1, $0x11  }
0xbe: {  	s0 =	sor.u32 s1, s0  }
0xbf: {  	s0 =	sadd.s32 $0x8F2B, s0  }
0xc0: {  	[sflag:s0] =	ssyncadd.remote.s32 $0x1  }
0xc1: {  	_ =	sfence.sel $0xFFFF  }
0xc2: {  	[dreg:$0x0] =	wrdreg $0xFFFFFFFF;
	(pc) =	sbr.abs _section_cstart, $3  }
0xc3: {  	[dreg:$0x1] =	wrdreg $0xFFFFFFFF  }
0xc4: {  	_ =	task.clear_ibuf [dreg:s8], $0x2FFFF;
	_ =	strace $0x9FFFFFFF  }
0xc5: {  	(tm) =	ssettm $0x7FFFFFFF  }
tec
execute0_lowered:
.L_overlay_start_1:
0x0: {  	(tag) =	ssettag $0x1  }
0x1: {  	s1 =	rddreg [dreg:$0x0]  }
0x2: {  	s0 =	rddreg [dreg:$0x1]  }
0x3: {  	s3 =	rddreg [dreg:$0x3];
	s4 =	srdreg.scid  }
0x4: {  	s5 =	simm.s32 $0x0;
	s2 =	stileid.u32;
	s13 =	simm.s32 $0x4000  }
0x5: {  	s14 =	simm.s32 $0xCF80;
	s16 =	simm.s32 $0x3;
	s17 =	simm.s32 $0x2  }
0x6: {  	s18 =	simm.s32 $0xA800;
	s19 =	simm.s32 $0xD780;
	s20 =	simm.s32 $0xD800  }
0x7: {  	s21 =	simm.s32 $0xFF80;
	s22 =	simm.s32 $0x1;
	s23 =	simm.s32 $0x50  }
0x8: {  	s25 =	simm.s32 $0x8000;
	s28 =	simm.s32 $0x0;
	s4 =	sand.u32 $0x1, s4  }
0x9: {  	[smem:$0x7FF] =	sst s5;
	s11 =	smul.u32 $0x11000, s2;
	s30 =	sshll.u32 s2, $0x6  }
0xa: {  	s24 =	smul.u32 $0x880, s2;
	s6 =	sshll.u32 s4, $0x4;
	_ =	strace $0x8000004A  }
0xb: {  	s7 =	smul.u32 $0x8800, s4;
	s4 =	ssub.s32 $0x2, s4;
	s10 =	sor.u32 s2, s6  }
0xc: {  	s26 =	sshrl.u32 s4, $0x1;
	s29 =	sshrl.u32 s11, $0x2;
	s6 =	sshll.u32 s10, $0xB  }
0xd: {  	s9 =	sshll.u32 s10, $0x3;
	s12 =	sadd.s32 s7, s0;
	s4 =	ssub.s32 s4, s26  }
.Ltmp0:
0xe: {  	s15 =	sadd.s32 s29, s3;
	s10 =	sshll.u32 s10, $0x6;
	(pc) =	sbr.rel .LBB2_1-.Ltmp0, $4  }
0xf: {  	s26 =	simm.s32 $0x12700;
	s8 =	sadd.s32 s6, s0;
	s6 =	sadd.s32 $0x21800, s0  }
0x10: {  	s0 =	sadd.s32 s9, s0;
	s9 =	sor.u32 $0x1C03, s30;
	s31 =	sadd.s32 $0x22200, s12  }
0x11: {  	v0 =	vlaneseq.u32;
	s12 =	smax.u32 s4, $0x1;
	s15 =	sshrl.u32 s15, $0x3;
	s7 =	sadd.s32 $0x1800, s8  }
0x12: {  	v1 =	vimm.s32 $0x0;
	v3 =	vimm.s32 $0x800;
	v2 =	vadd.s32 $0x1, v0;
	s8 =	sadd.s32 $0x11800, s8;
	s11 =	sadd.s32 $0x33200, s0;
	s24 =	sadd.s32 s24, s31  }
.LBB2_10:
0x13: {  	[sflag:s16] =	ssyncadd.s32 $0xFFFFD800  }
.LBB2_11:
0x14: {  	s28 =	sadd.s32 $0x1, s28  }
0x15: {  	p0 =	sne.s32 s28, s12  }
.Ltmp1:
0x16: {  	[bflag:$0x0] =	sbarrier.arrive $0xFFFF;
	(pc) =	sbr.rel @!p0 .LBB2_12-.Ltmp1, $4  }
0x17: {  	[hbm:s24], [sflag:s9] =	dma.local [spmem:s15], $0x880  }
0x18: {  	_ =	swait.ge [sflag:s16], $0x880  }
0x19: {  	[sflag:s16] =	ssyncset.done $0x0  }
0x1a: {  	[sflag:s16] =	ssyncadd.s32 $0xFFFFF780  }
.LBB2_1:
0x1b: {  	[tilespmem:s5], [sflag:$0x2] =	stream.linear.gather [hbm4b:s7+s5], $0x3E80, $0x38;
	[tilespmem:$0x16B80] =	vst v63  }
0x1c: {  	_ = 	snop  }
0x1d: {  	[tilespmem:s13], [sflag:$0x2] =	stream.linear.gather [hbm4b:s8+s5], $0x3E80, $0x38;
	[tilespmem:$0x16B80] =	vst v63  }
0x1e: {  	s0 =	rddreg [dreg:$0x2]  }
0x1f: {  	[tilespmem:s14], [sflag:$0x2] =	stream.linear.gather [hbm4b:s0+s5], $0x800, $0x38;
	[tilespmem:$0x16B80] =	vst v63  }
0x20: {  	[spmem:s15], [sflag:s9] =	dma.local [hbm:s6], $0x880  }
0x21: {  	_ =	swait.ge [sflag:s16], $0x880  }
0x22: {  	[sflag:s16] =	ssyncset.done $0x0  }
0x23: {  	s4 =	simm.s32 $0x0;
	s0 =	simm.s32 $0x40;
	[sflag:s16] =	ssyncadd.s32 $0xFFFFF780  }
.LBB2_2:
0x24: {  	p0 =	sne.s32 s0, $0x9DC0;
	[tilespmem:s4+$0xA800] =	vst v1;
	s4 =	smov.u32 s0;
	s0 =	sadd.s32 $0x40, s0  }
.Ltmp2:
0x25: {  	(pc) =	sbr.rel @p0 .LBB2_2-.Ltmp2, $2  }
0x26: {  	_ =	sdelay $0x2  }
0x27: {  	s4 =	sshra.s32 s4, $0x2  }
0x28: {  	[tilespmem:s4+$0xA800] =	vst v1  }
0x29: {  	_ =	swait.ge [sflag:s17], $0x3E80  }
0x2a: {  	[sflag:s17] =	ssyncset.done $0x0  }
0x2b: {  	[sflag:s17] =	ssyncadd.s32 $0xFFFFC180  }
0x2c: {  	_ =	swait.ge [sflag:s17], $0x3E80  }
0x2d: {  	[sflag:s17] =	ssyncset.done $0x0  }
0x2e: {  	[sflag:s17] =	ssyncadd.s32 $0xFFFFC180  }
0x2f: {  	_ =	swait.ge [sflag:s17], $0x800  }
0x30: {  	[sflag:s17] =	ssyncset.done $0x0  }
0x31: {  	s0 =	simm.s32 $0xCF80;
	[sflag:s17] =	ssyncadd.s32 $0xFFFFF800  }
0x32: {  	s29 =	simm.s32 $0x0;
	s30 =	simm.s32 $0x10;
	v4 =	vld [tilespmem:s0+$0x0]  }
.LBB2_4:
0x33: {  	p0 =	sne.s32 s30, $0x7F0;
	_ =	sdelay $0x3  }
.Ltmp3:
0x34: {  	(pc) =	sbr.rel @p0 .LBB2_4-.Ltmp3, $4  }
0x35: {  	_ = 	snop  }
0x36: {  	v5 =	vadd.s32 s29, v2;
	s29 =	smov.u32 s30  }
0x37: {  	s0 =	sadd.s32 $0x10, s0;
	[tilespmem:v4+s18+$0x0] =	vst.idx.msk $0xffff, v5  }
0x38: {  	s30 =	sadd.s32 $0x10, s30;
	v4 =	vld [tilespmem:s0+$0x0]  }
0x39: {  	_ =	sdelay $0x6  }
0x3a: {  	v5 =	vadd.s32 s29, v2  }
0x3b: {  	[tilespmem:v4+s18+$0x0] =	vst.idx.msk $0xffff, v5  }
0x3c: {  	v4 =	vld [tilespmem:s10+$0xCF80];
	_ =	sdelay $0x7  }
0x3d: {  	v4 =	vld.idx.msk [tilespmem:v4+s18+$0x0], $0xffff;
	_ =	sdelay $0x4  }
0x3e: {  	v4 =	vadd.s32 $0xFFFFFFFF, v4  }
0x3f: {  	[tilespmem:$0xD780] =	vst v4  }
0x40: {  	v4 =	vld [tilespmem:s10+$0xCF90];
	_ =	sdelay $0x7  }
0x41: {  	v4 =	vld.idx.msk [tilespmem:v4+s18+$0x0], $0xffff;
	_ =	sdelay $0x4  }
0x42: {  	v4 =	vadd.s32 $0xFFFFFFFF, v4  }
0x43: {  	[tilespmem:$0xD790] =	vst v4  }
0x44: {  	v4 =	vld [tilespmem:s10+$0xCFA0];
	_ =	sdelay $0x7  }
0x45: {  	v4 =	vld.idx.msk [tilespmem:v4+s18+$0x0], $0xffff;
	_ =	sdelay $0x4  }
0x46: {  	v4 =	vadd.s32 $0xFFFFFFFF, v4  }
0x47: {  	[tilespmem:$0xD7A0] =	vst v4  }
0x48: {  	v4 =	vld [tilespmem:s10+$0xCFB0];
	_ =	sdelay $0x7  }
0x49: {  	s29 =	simm.s32 $0x0;
	v4 =	vld.idx.msk [tilespmem:v4+s18+$0x0], $0xffff  }
0x4a: {  	s0 =	smul.u32 $0xCCCD, s29;
	_ =	sdelay $0x1  }
0x4b: {  	s0 =	sshrl.u32 s0, $0x12  }
0x4c: {  	s4 =	smul.u32 $0x5, s0  }
0x4d: {  	v4 =	vadd.s32 $0xFFFFFFFF, v4  }
0x4e: {  	s4 =	ssub.s32 $0x0, s4;
	[tilespmem:$0xD7B0] =	vst v4  }
0x4f: {  	[hbm4b:s11+s29] =	stream.linear.scatter [tilespmem:s19], [sflag:$0x3], $0x40, $0x38;
	[tilespmem:$0x16B80] =	vst v63  }
0x50: {  	s0 =	sshll.u32 s0, $0x7;
	s4 =	sshll.u32 s4, $0x4;
	_ =	swait.ge [sflag:s16], $0x40  }
0x51: {  	s0 =	sor.u32 s4, s0;
	[sflag:s16] =	ssyncset.done $0x0  }
0x52: {  	s0 =	sand.u32 $0xFFF0, s0;
	[sflag:s16] =	ssyncadd.s32 $0xFFFFFFC0  }
0x53: {  	v4 =	vld [tilespmem:s0+$0x4000];
	_ =	sdelay $0x7  }
0x54: {  	v4 =	vld.idx.msk [tilespmem:v4+s18+$0x0], $0xffff;
	_ =	sdelay $0x4  }
0x55: {  	vm0 =	vgt.s32 v4, $0x0  }
0x56: {  	v6 =	vsel vm0, $0x1, v1  }
0x57: {  	(xrf0) =	vadd.scan.msk.s32 $0xffff, v6;
	_ =	sdelay $0x2  }
0x58: {  	v5 =	vmov s29  }
0x59: {  	s30 =	simm.s32 $0x1;
	v5 =	vadd.s32 $0xFFFFFFFF, v5  }
0x5a: {  	s31 =	simm.s32 $0x2;
	v5 =	vbroadcast v5, $0x0;
	s4 =	smul.u32 $0xCCCD, s30;
	v4 =	vadd.s32 $0xFFFFFFFF, v4  }
.LBB2_6:
0x5b: {  	p0 =	sne.s32 s31, $0x270;
	v6, _, _ =	vpop (xrf0)  }
0x5c: {  	s4 =	sshrl.u32 s4, $0x12;
	v7 =	vld [tilespmem:s0+$0x0];
	v5 =	vadd.s32 v6, v5;
	(v2sf) =	vpush v6, $0xF  }
0x5d: {  	s0 =	smul.u32 $0x5, s4;
	_ =	sdelay $0x1  }
0x5e: {  	s0 =	ssub.s32 s30, s0;
	s30 =	smov.u32 s31  }
0x5f: {  	s4 =	sshll.u32 s4, $0x7;
	s0 =	sshll.u32 s0, $0x4  }
0x60: {  	s0 =	sor.u32 s0, s4;
	[tilespmem:v5+s20+$0x0] =	vst.idx.msk vm0, v7  }
0x61: {  	s0 =	sand.u32 $0xFFF0, s0;
	[tilespmem:v5+s21+$0x0] =	vst.idx.msk vm0, v4  }
0x62: {  	v4 =	vld [tilespmem:s0+$0x4000];
	_ =	sdelay $0x7  }
0x63: {  	v4 =	vld.idx.msk [tilespmem:v4+s18+$0x0], $0xffff;
	s4 =	spop (v2sf)  }
0x64: {  	s29 =	sadd.s32 s29, s4  }
0x65: {  	v5 =	vmov s29  }
0x66: {  	v5 =	vadd.s32 $0xFFFFFFFF, v5  }
0x67: {  	v5 =	vbroadcast v5, $0x0;
	_ =	sdelay $0x1  }
0x68: {  	vm0 =	vgt.s32 v4, $0x0;
	v4 =	vadd.s32 $0xFFFFFFFF, v4  }
0x69: {  	v6 =	vsel vm0, $0x1, v1  }
0x6a: {  	(xrf0) =	vadd.scan.msk.s32 $0xffff, v6  }
.Ltmp4:
0x6b: {  	(pc) =	sbr.rel @p0 .LBB2_6-.Ltmp4, $2  }
0x6c: {  	_ =	sdelay $0x2  }
0x6d: {  	s31 =	sadd.s32 $0x1, s31;
	s4 =	smul.u32 $0xCCCD, s30  }
0x6e: {  	v6, _, _ =	vpop (xrf0)  }
0x6f: {  	v7 =	vld [tilespmem:s0+$0x0];
	s4 =	sshrl.u32 s4, $0x12;
	v5 =	vadd.s32 v6, v5  }
0x70: {  	s31 =	smul.u32 $0x5, s4;
	_ =	sdelay $0x1  }
0x71: {  	s0 =	ssub.s32 s30, s31  }
0x72: {  	s4 =	sshll.u32 s4, $0x7;
	s0 =	sshll.u32 s0, $0x4  }
0x73: {  	s0 =	sor.u32 s0, s4;
	[tilespmem:v5+s20+$0x0] =	vst.idx.msk vm0, v7  }
0x74: {  	s0 =	sand.u32 $0xFFF0, s0;
	[tilespmem:v5+s21+$0x0] =	vst.idx.msk vm0, v4  }
0x75: {  	v4 =	vld [tilespmem:s0+$0x4000];
	_ =	sdelay $0x7  }
0x76: {  	v4 =	vld.idx.msk [tilespmem:v4+s18+$0x0], $0xffff;
	_ =	sdelay $0x4  }
0x77: {  	vm15 =	vgt.s32 v4, $0x0  }
0x78: {  	v5 =	vsel vm15, $0x1, v1  }
0x79: {  	(xrf0) =	vadd.scan.msk.s32 $0xffff, v5  }
0x7a: {  	(v2sf) =	vpush v6, $0xF;
	_ =	sdelay $0x4  }
0x7b: {  	v5, _, _ =	vpop (xrf0)  }
0x7c: {  	(v2sf) =	vpush v5, $0xF;
	_ =	sdelay $0x8  }
0x7d: {  	s2 =	spop (v2sf)  }
0x7e: {  	s4 =	sadd.s32 s29, s2  }
0x7f: {  	v61 =	vmov s4  }
0x80: {  	v6 =	vadd.s32 $0xFFFFFFFF, v61  }
0x81: {  	v6 =	vbroadcast v6, $0x0;
	_ =	sdelay $0x1  }
0x82: {  	v7 =	vld [tilespmem:s0+$0x0];
	v5 =	vadd.s32 v5, v6;
	s31 =	spop (v2sf)  }
0x83: {  	s0 =	sadd.s32 s4, s31  }
0x84: {  	s4 =	sadd.s32 $0x4F, s0  }
0x85: {  	s30 =	smulhi.u32 $0x66666667, s4;
	s31 =	sshra.s32 s4, $0x1F  }
0x86: {  	s31 =	smul.u32 $0x66666667, s31  }
0x87: {  	v4 =	vadd.s32 $0xFFFFFFFF, v4;
	[tilespmem:v5+s20+$0x0] =	vst.idx.msk vm15, v7;
	v62 =	vadd.s32 s0, v0;
	s2 =	sadd.s32 $0x20, s0  }
0x88: {  	[tilespmem:v5+s21+$0x0] =	vst.idx.msk vm15, v4;
	s29 =	sadd.s32 $0x10, s0;
	v4 =	vadd.s32 s2, v0;
	s2 =	sadd.s32 s31, s30  }
0x89: {  	v8 =	vadd.s32 s29, v0;
	s31 =	sshrl.u32 s2, $0x1F;
	s2 =	sshra.s32 s2, $0x5  }
0x8a: {  	s2 =	sadd.s32 s31, s2  }
0x8b: {  	s29 =	simm.s32 $0xD800;
	s30 =	sadd.s32 $0x30, s0;
	s31 =	smul.u32 $0xFFFFFFB0, s2  }
0x8c: {  	[tilespmem:v62+s29+$0x0] =	vst.idx.msk $0xffff, v1;
	v5 =	vadd.s32 s30, v0;
	s30 =	sadd.s32 $0x40, s0;
	s0 =	ssub.s32 $0xFFFFFFB1, s0  }
0x8d: {  	p0 =	slt.s32 s4, $0x1;
	[tilespmem:v62+s21+$0x0] =	vst.idx.msk $0xffff, v3;
	p1 =	sne.s32 s31, s0  }
0x8e: {  	[tilespmem:v8+s29+$0x0] =	vst.idx.msk $0xffff, v1;
	p0 =	por !p0, !p1  }
0x8f: {  	v63 =	vadd.s32 s30, v0;
	[tilespmem:v8+s21+$0x0] =	vst.idx.msk $0xffff, v3;
	s0 =	simm.s32 $0x1;
	p0 =	por !p0, !p0  }
0x90: {  	[tilespmem:v4+s29+$0x0] =	vst.idx.msk $0xffff, v1;
	s0 =	simm.s32 @!p0 $0x0  }
0x91: {  	[tilespmem:v4+s21+$0x0] =	vst.idx.msk $0xffff, v3;
	s0 =	ssub.s32 s2, s0  }
0x92: {  	[tilespmem:v5+s29+$0x0] =	vst.idx.msk $0xffff, v1;
	p0 =	slt.s32 s0, $0x1  }
.Ltmp5:
0x93: {  	[tilespmem:v5+s21+$0x0] =	vst.idx.msk $0xffff, v3;
	(pc) =	sbr.rel @p0 .LBB2_11-.Ltmp5, $4  }
0x94: {  	[tilespmem:v63+s29+$0x0] =	vst.idx.msk $0xffff, v1  }
0x95: {  	[tilespmem:v63+s21+$0x0] =	vst.idx.msk $0xffff, v3  }
0x96: {  	[bflag:$0x0] =	sbarrier.arrive $0xFFFF  }
0x97: {  	s30 =	simm.s32 $0xFFA0  }
0x98: {  	[tilespmem:s25], [sflag:$0x1] =	stream.indirect.gather [hbm4b:s1+s23], $0x80, s29, s23, $0xb8;
	[tilespmem:$0x16B80] =	vst v63  }
0x99: {  	_ =	swait.ge [sflag:s22], $0x2800  }
0x9a: {  	[sflag:s22] =	ssyncset.done $0x0  }
0x9b: {  	[sflag:s22] =	ssyncadd.s32 $0xFFFFD800  }
0x9c: {  	v4 =	vld [tilespmem:s30+$0xFFFFFFE0];
	_ =	sdelay $0x4  }
0x9d: {  	[tilespmem:$0x12700] =	vst v4  }
0x9e: {  	v4 =	vld [tilespmem:s30+$0xFFFFFFF0];
	_ =	sdelay $0x4  }
0x9f: {  	[tilespmem:$0x12710] =	vst v4  }
0xa0: {  	v4 =	vld [tilespmem:s30+$0x0];
	_ =	sdelay $0x4  }
0xa1: {  	[tilespmem:$0x12720] =	vst v4  }
0xa2: {  	v4 =	vld [tilespmem:s30+$0x10];
	_ =	sdelay $0x4  }
0xa3: {  	[tilespmem:$0x12730] =	vst v4  }
0xa4: {  	v4 =	vld [tilespmem:s30+$0x20];
	_ =	sdelay $0x2  }
0xa5: {  	p0 =	sne.s32 s0, $0x1  }
.Ltmp6:
0xa6: {  	_ = 	snop;
	(pc) =	sbr.rel @!p0 .LBB2_10-.Ltmp6, $4  }
0xa7: {  	[tilespmem:$0x12740] =	vst v4  }
0xa8: {  	[spmem:s3] =	stream.indirect.scatter.add.f32 [tilespmem:s25], [sflag:$0x3], $0x80, s26, s23, $0xb8;
	[tilespmem:$0x16B80] =	vst v63  }
0xa9: {  	_ =	swait.ge [sflag:s16], $0x2800  }
0xaa: {  	s31 =	sadd.s32 $0xFFFFFFFF, s0;
	[sflag:s16] =	ssyncset.done $0x0  }
.LBB2_9:
0xab: {  	[sflag:s16] =	ssyncadd.s32 $0xFFFFD800;
	s30 =	sadd.s32 $0x50, s30;
	s29 =	sadd.s32 $0x50, s29  }
0xac: {  	[tilespmem:s25], [sflag:$0x1] =	stream.indirect.gather [hbm4b:s1+s23], $0x80, s29, s23, $0xb8;
	[tilespmem:$0x16B80] =	vst v63  }
0xad: {  	p0 =	sne.s32 s31, $0x1;
	s31 =	sadd.s32 $0xFFFFFFFF, s31;
	_ =	swait.ge [sflag:s22], $0x2800  }
0xae: {  	[sflag:s22] =	ssyncset.done $0x0  }
0xaf: {  	[sflag:s22] =	ssyncadd.s32 $0xFFFFD800  }
0xb0: {  	v4 =	vld [tilespmem:s30+$0xFFFFFFE0];
	_ =	sdelay $0x4  }
0xb1: {  	[tilespmem:$0x12700] =	vst v4  }
0xb2: {  	v4 =	vld [tilespmem:s30+$0xFFFFFFF0];
	_ =	sdelay $0x4  }
0xb3: {  	[tilespmem:$0x12710] =	vst v4  }
0xb4: {  	v4 =	vld [tilespmem:s30+$0x0];
	_ =	sdelay $0x4  }
0xb5: {  	[tilespmem:$0x12720] =	vst v4  }
0xb6: {  	v4 =	vld [tilespmem:s30+$0x10];
	_ =	sdelay $0x4  }
0xb7: {  	[tilespmem:$0x12730] =	vst v4  }
0xb8: {  	v4 =	vld [tilespmem:s30+$0x20];
	_ =	sdelay $0x3  }
.Ltmp7:
0xb9: {  	(pc) =	sbr.rel @p0 .LBB2_9-.Ltmp7, $4  }
0xba: {  	[tilespmem:$0x12740] =	vst v4  }
0xbb: {  	[spmem:s3] =	stream.indirect.scatter.add.f32 [tilespmem:s25], [sflag:$0x3], $0x80, s26, s23, $0xb8;
	[tilespmem:$0x16B80] =	vst v63  }
0xbc: {  	_ =	swait.ge [sflag:s16], $0x2800  }
0xbd: {  	[sflag:s16] =	ssyncset.done $0x0  }
.Ltmp8:
0xbe: {  	_ = 	snop;
	(pc) =	sbr.rel .LBB2_10-.Ltmp8, $1  }
0xbf: {  	_ =	sdelay $0x3  }
.LBB2_12:
0xc0: {  	_ =	sfence.sel $0x180000  }
0xc1: {  	[bflag:$0x0] =	sbarrier.arrive $0xFFFF  }
0xc2: {  	_ =	strace $0x9000004A  }
0xc3: {  	s0 =	stileid.u32;
	[bflag:$0x2] =	sbarrier.arrive $0xFFFF  }
0xc4: {  	p0 =	sne.s32 s0, $0x0;
	s0 =	rddreg [dreg:$0x4]  }
0xc5: {  	s0 =	sadd.s32 @!p0 $0x100000, s0  }
0xc6: {  	[sflag:s0] =	ssyncadd.tile.s32 @!p0 $0x1;
	_ =	shalt  }
.Lfunc_end2:
_tile_overlayer_lowered:
.L_overlay_start_2:
0xc7: {  	(tag) =	ssettag $0x2  }
0xc8: {  	s0 =	rddreg [dreg:$0x0];
	s2 =	stileid.u32  }
0xc9: {  	s1 =	rddreg [dreg:$0x1];
	p0 =	sne.s32 s2, $0x0  }
0xca: {  	s3 =	rddreg [dreg:$0x2];
	[bflag:$0x3] =	sbarrier.arrive $0xFFFF;
	s2 =	simm.s32 @!p0 $0x1C03  }
0xcb: {  	[timem:s3], [sflag:s2] =	dma.local @!p0 [hbm:s0], s1  }
0xcc: {  	s0 =	simm.s32 @!p0 $0x3  }
0xcd: {  	_ =	swait.ge @!p0 [sflag:s0], s1  }
0xce: {  	s1 =	ssub.s32 @!p0 $0x0, s1;
	[sflag:s0] =	ssyncset.done @!p0 $0x0  }
0xcf: {  	[sflag:s0] =	ssyncadd.s32 @!p0 s1  }
0xd0: {  	[bflag:$0x3] =	sbarrier.arrive $0xFFFF  }
0xd1: {  	_ =	shalt  }

// kernel: kernel.14.cloned.1.call-start
scs
__scs_entry_jumppad:
0x0: {  	(pc) =	sbr.rel $0x88, $3  }
0x1: {  	(tag) =	ssettag $0x0;
	lr =	simm.s32 $0x1  }
0x2: {  	[smem:$0x3F9C] =	sst lr;
	_ =	strace $0xD0000000  }
0x3: {  	_ = 	snop  }
0x4: {  	_ = 	snop  }
0x5: {  	_ = 	snop  }
0x6: {  	_ = 	snop  }
0x7: {  	_ = 	snop  }
__scs_overlays_trampoline_lowered:
0x8: {  	[smem:$0x3FAB] =	sst s0  }
0x9: {  	[smem:$0x3FAC] =	sst s1  }
0xa: {  	[smem:$0x3FAD] =	sst s2  }
0xb: {  	[smem:$0x3FAE] =	sst s3  }
0xc: {  	[smem:$0x3FAF] =	sst s4  }
0xd: {  	[smem:$0x3FB0] =	sst s5  }
0xe: {  	[smem:$0x3FB1] =	sst s6  }
0xf: {  	[smem:$0x3FB2] =	sst s7  }
0x10: {  	[smem:$0x3FB3] =	sst s8  }
0x11: {  	[smem:$0x3FB4] =	sst s9;
	s0 =	simm.s32 @!p0 $0x0  }
0x12: {  	s1 =	sld [smem:$0x3F9A];
	s0 =	simm.s32 @p0 $0x1  }
0x13: {  	[smem:$0x3FB5] =	sst s0;
	s0 =	simm.s32 @!p1 $0x0  }
0x14: {  	s2 =	sld [smem:$0x3F99];
	s0 =	simm.s32 @p1 $0x1  }
0x15: {  	[smem:$0x3FB6] =	sst s0;
	s0 =	simm.s32 @!p2 $0x0  }
0x16: {  	s3 =	sld [smem:$0x3FDB];
	s0 =	simm.s32 @p2 $0x1  }
0x17: {  	s4 =	simm.s32 $0x1BF5;
	[smem:$0x3FB8] =	sst s0  }
0x18: {  	s0 =	sld [smem:$0x3F9B];
	_ =	swait.ge [sflag:s4], $0x0  }
0x19: {  	s7 =	sld [smem:$0x3F9C]  }
0x1a: {  	s8 =	sadd.s32 $0xFFFFE003, lr  }
0x1b: {  	s9 =	sadd.s32 $0xFFFFFEF7, lr;
	s5 =	simm.s32 $0xFFFFFFFF;
	p2 =	slt.u32 s8, $0xFFFFF086  }
0x1c: {  	p1 =	slt.u32 s9, $0xF7A;
	s5 =	simm.s32 @!p2 $0x0  }
0x1d: {  	s5 =	simm.s32 @p1 $0x1;
	p0 =	seq.s32 s7, s2  }
0x1e: {  	s7 =	smul.u32 @!p0 $0xF7A, s2;
	p2 =	seq.s32 @!p0 s5, $0x0  }
0x1f: {  	s9 =	smul.u32 $0xF7A, s1;
	s8 =	simm.s32 @!p0 $0x1BF5;
	p2 =	por !p2, p0  }
0x20: {  	[sflag:s8] =	ssyncset.s32 @!p0 $0xFFFFF086;
	s6 =	sadd.s32 @!p0 s3, s7;
	s7 =	simm.s32 @!p0 $0x108  }
0x21: {  	s3 =	sadd.s32 s3, s9;
	s6 =	sadd.s32 @!p0 $0x88, s6;
	s7 =	simm.s32 @p2 $0x1082  }
0x22: {  	[simem:s7], [sflag:s8] =	dma.local @!p0 [hbm:s6], $0xF7A  }
0x23: {  	s9 =	sor.u32 $0xD0000000, s2;
	s6 =	simm.s32 $0x108;
	_ =	swait.ge @!p0 [sflag:s8], $0x0  }
0x24: {  	s3 =	sadd.s32 $0x88, s3;
	s6 =	simm.s32 @!p1 $0x1082;
	[sflag:s4] =	ssyncset.s32 $0xFFFFF086  }
0x25: {  	[simem:s6], [sflag:s4] =	dma.local [hbm:s3], $0xF7A  }
0x26: {  	[smem:$0x3F9C] =	sst s1;
	(tag) =	ssettag s2;
	_ =	strace s9  }
0x27: {  	s1 =	sld [smem:$0x3FAC]  }
0x28: {  	s2 =	sld [smem:$0x3FAD]  }
0x29: {  	s4 =	sld [smem:$0x3FAF]  }
0x2a: {  	p0 =	seq.s32 s5, $0x0;
	s5 =	sld [smem:$0x3FB0]  }
0x2b: {  	s6 =	sld [smem:$0x3FB1]  }
0x2c: {  	s7 =	sld [smem:$0x3FB2]  }
0x2d: {  	s3 =	simm.s32 $0x108;
	s8 =	sld [smem:$0x3FB3]  }
0x2e: {  	s3 =	simm.s32 @!p0 $0x1082;
	s9 =	sld [smem:$0x3FB4]  }
0x2f: {  	lr =	sadd.s32 s0, s3;
	s0 =	sld [smem:$0x3FAB]  }
0x30: {  	s3 =	sld [smem:$0x3FAE]  }
0x31: {  	[smem:$0x3FB7] =	sst s10  }
0x32: {  	s10 =	sld [smem:$0x3FB5];
	_ =	sdelay $0x3  }
0x33: {  	p0 =	seq.s32 s10, $0x1;
	s10 =	sld [smem:$0x3FB7];
	_ =	sdelay $0x3  }
0x34: {  	[smem:$0x3FB7] =	sst s10  }
0x35: {  	s10 =	sld [smem:$0x3FB6];
	_ =	sdelay $0x3  }
0x36: {  	p1 =	seq.s32 s10, $0x1;
	s10 =	sld [smem:$0x3FB7];
	_ =	sdelay $0x3  }
0x37: {  	[smem:$0x3FB7] =	sst s10  }
0x38: {  	s10 =	sld [smem:$0x3FB8]  }
0x39: {  	_ = 	snop;
	(pc) =	sbr.ind lr, $3  }
0x3a: {  	_ = 	snop  }
0x3b: {  	_ = 	snop  }
0x3c: {  	p2 =	seq.s32 s10, $0x1;
	s10 =	sld [smem:$0x3FB7]  }
0x3d: {  	_ =	shalt  }
0x3e: {  	_ =	shalt  }
0x3f: {  	_ =	shalt  }
0x40: {  	_ =	shalt  }
0x41: {  	_ =	shalt  }
0x42: {  	_ =	shalt  }
0x43: {  	_ =	shalt  }
0x44: {  	_ =	shalt  }
0x45: {  	_ =	shalt  }
0x46: {  	_ =	shalt  }
0x47: {  	_ =	shalt  }
0x48: {  	_ =	shalt  }
0x49: {  	_ =	shalt  }
0x4a: {  	_ =	shalt  }
0x4b: {  	_ =	shalt  }
0x4c: {  	_ =	shalt  }
0x4d: {  	_ =	shalt  }
0x4e: {  	_ =	shalt  }
0x4f: {  	_ =	shalt  }
0x50: {  	_ =	shalt  }
0x51: {  	_ =	shalt  }
0x52: {  	_ =	shalt  }
0x53: {  	_ =	shalt  }
0x54: {  	_ =	shalt  }
0x55: {  	_ =	shalt  }
0x56: {  	_ =	shalt  }
0x57: {  	_ =	shalt  }
0x58: {  	_ =	shalt  }
0x59: {  	_ =	shalt  }
0x5a: {  	_ =	shalt  }
0x5b: {  	_ =	shalt  }
0x5c: {  	_ =	shalt  }
0x5d: {  	_ =	shalt  }
0x5e: {  	_ =	shalt  }
0x5f: {  	_ =	shalt  }
0x60: {  	_ =	shalt  }
0x61: {  	_ =	shalt  }
0x62: {  	_ =	shalt  }
0x63: {  	_ =	shalt  }
0x64: {  	_ =	shalt  }
0x65: {  	_ =	shalt  }
0x66: {  	_ =	shalt  }
0x67: {  	_ =	shalt  }
0x68: {  	_ =	shalt  }
0x69: {  	_ =	shalt  }
0x6a: {  	_ =	shalt  }
0x6b: {  	_ =	shalt  }
0x6c: {  	_ =	shalt  }
0x6d: {  	_ =	shalt  }
0x6e: {  	_ =	shalt  }
0x6f: {  	_ =	shalt  }
0x70: {  	_ =	shalt  }
0x71: {  	_ =	shalt  }
0x72: {  	_ =	shalt  }
0x73: {  	_ =	shalt  }
0x74: {  	_ =	shalt  }
0x75: {  	_ =	shalt  }
0x76: {  	_ =	shalt  }
0x77: {  	_ =	shalt  }
0x78: {  	_ =	shalt  }
0x79: {  	_ =	shalt  }
0x7a: {  	_ =	shalt  }
0x7b: {  	_ =	shalt  }
0x7c: {  	_ =	shalt  }
0x7d: {  	_ =	shalt  }
0x7e: {  	_ =	shalt  }
0x7f: {  	_ =	shalt  }
0x80: {  	_ =	shalt  }
0x81: {  	_ =	shalt  }
0x82: {  	_ =	shalt  }
0x83: {  	_ =	shalt  }
0x84: {  	_ =	shalt  }
0x85: {  	_ =	shalt  }
0x86: {  	_ =	shalt  }
0x87: {  	_ =	shalt  }
.Lfunc_end0:
.L_simem_size_0:
called_computation.2_lowered:
.L_overlay_start_0:
0x88: {  	s2 =	sld [smem:$0x3FD9]  }
0x89: {  	s3 =	sld [smem:$0x3FFE];
	_ =	sdelay $0x1  }
0x8a: {  	s1 =	srdreg.scid  }
0x8b: {  	s0 =	sand.u32 $0x1, s1  }
0x8c: {  	s17 =	sshll.u32 s0, $0xA;
	s2 =	sadd.s32 s3, s2  }
0x8d: {  	s2 =	sadd.s32 s2, s17  }
0x8e: {  	[smem:$0x3FC3] =	sst s2  }
0x8f: {  	_ = 	snop  }
0x90: {  	s2 =	sld [smem:$0x3FD0];
	(tm) =	ssettm $0x1  }
0x91: {  	s18 =	sld [smem:$0x3FFB];
	_ =	sdelay $0x3  }
0x92: {  	_ =	strace s18  }
0x93: {  	s3 =	sld [smem:$0x3FFC];
	_ =	sdelay $0x3  }
0x94: {  	_ =	strace s3  }
0x95: {  	s3 =	sld [smem:$0x3FFD];
	_ =	sdelay $0x3  }
0x96: {  	_ =	strace s3  }
0x97: {  	_ =	strace $0x8FFFFFFF  }
0x98: {  	s19 =	sld [smem:$0x3FDB];
	_ =	sdelay $0x1  }
0x99: {  	s4 =	simm.s32 $_scs_section_size  }
0x9a: {  	s5 =	simm.s32 $_size__tile_overlayer_lowered;
	s6 =	simm.s32 $_tile_overlayer_lowered  }
0x9b: {  	s22 =	simm.s32 $0x1BFF;
	s21 =	sshll.u32 s6, $0x1;
	s3 =	sadd.s32 s4, s19  }
0x9c: {  	s7 =	simm.s32 $0x0;
	s20 =	sshll.u32 s5, $0x1;
	s5 =	sadd.s32 s21, s3  }
0x9d: {  	[timem:s7], [sflag:s22] =	dma.local [hbm:s5], s20  }
0x9e: {  	_ =	swait.ge [sflag:s22], s20  }
0x9f: {  	s4 =	ssub.s32 $0x0, s20;
	[sflag:s22] =	ssyncset.done $0x0  }
0xa0: {  	[sflag:s22] =	ssyncadd.s32 s4;
	_ =	sdelay $0x1  }
0xa1: {  	s23 =	simm.s32 $0x1B8B  }
0xa2: {  	_ =	swait.ge [sflag:s23], $0x1  }
0xa3: {  	[sflag:s23] =	ssyncset.done $0x0  }
0xa4: {  	s25 =	simm.s32 $0x1B8E;
	s24 =	sld [smem:$0x3FFE];
	[sflag:s23] =	ssyncadd.s32 $0xFFFFFFFF  }
0xa5: {  	s26 =	simm.s32 $execute0_lowered;
	[smem:$0x3FD2] =	sst s25  }
0xa6: {  	s5 =	sshll.u32 s26, $0x1;
	_ =	strace $0x8000004C;
	[dreg:$0x1] =	wrdreg $0xFFFFFFFF  }
0xa7: {  	s28 =	simm.s32 $_size_execute0_lowered;
	s3 =	sadd.s32 s3, s5;
	[dreg:$0x0] =	wrdreg $0x0  }
0xa8: {  	s5 =	sshll.u32 s28, $0x1;
	[dreg:$0x2] =	wrdreg s3  }
0xa9: {  	[dreg:$0x3] =	wrdreg s5  }
0xaa: {  	[dreg:$0x4] =	wrdreg $0xC0  }
0xab: {  	_ =	task [dreg:s7], $0x5FFFF  }
0xac: {  	[dreg:$0x1] =	wrdreg $0xFFFFFFFF  }
0xad: {  	[dreg:$0x0] =	wrdreg $0x60  }
0xae: {  	[dreg:$0x2] =	wrdreg s24  }
0xaf: {  	[dreg:$0x3] =	wrdreg s2  }
0xb0: {  	[dreg:$0x4] =	wrdreg $0x9  }
0xb1: {  	_ =	task.clear_ibuf [dreg:s7], $0x5FFFF;
	_ =	strace $0x9000004C  }
0xb2: {  	s29 =	simm.s32 $0x9;
	_ =	strace $0x8000004E  }
0xb3: {  	_ =	swait.ge [sflag:s29], $0x1  }
0xb4: {  	[sflag:s29] =	ssyncadd.s32 $0xFFFFFFFF  }
0xb5: {  	_ =	strace $0x9000004E  }
0xb6: {  	_ =	sfence  }
0xb7: {  	s30 =	sld [smem:$0x0];
	_ =	sdelay $0x2  }
0xb8: {  	s31 =	sshll.u32 s1, $0xD;
	s1 =	sshrl.u32 s1, $0x2  }
0xb9: {  	s3 =	sand.u32 $0x4000, s31;
	s1 =	sadd.s32 s1, s30  }
0xba: {  	s0 =	sor.u32 s3, s0;
	s1 =	sshll.u32 s1, $0x11  }
0xbb: {  	s0 =	sor.u32 s1, s0  }
0xbc: {  	s0 =	sadd.s32 $0x8F2B, s0  }
0xbd: {  	[sflag:s0] =	ssyncadd.remote.s32 $0x1  }
0xbe: {  	_ =	sfence.sel $0xFFFF  }
0xbf: {  	[dreg:$0x0] =	wrdreg $0xFFFFFFFF;
	(pc) =	sbr.abs _section_cstart, $3  }
0xc0: {  	[dreg:$0x1] =	wrdreg $0xFFFFFFFF  }
0xc1: {  	_ =	task.clear_ibuf [dreg:s7], $0x2FFFF;
	_ =	strace $0x9FFFFFFF  }
0xc2: {  	(tm) =	ssettm $0x7FFFFFFF  }
0xc3: {  	_ =	shalt  }
tec
execute0_lowered:
.L_overlay_start_1:
0x0: {  	(tag) =	ssettag $0x1  }
0x1: {  	s5 =	rddreg [dreg:$0x0]  }
0x2: {  	s1 =	rddreg [dreg:$0x1]  }
0x3: {  	s0 =	rddreg [dreg:$0x2];
	s3 =	simm.s32 $0x0;
	s4 =	srdreg.scid  }
0x4: {  	s2 =	stileid.u32;
	s10 =	simm.s32 $0x80;
	s11 =	simm.s32 $0x1  }
0x5: {  	s12 =	simm.s32 $0x2080;
	s13 =	simm.s32 $0x0;
	s6 =	sand.u32 $0x1, s4  }
0x6: {  	[smem:$0x7FF] =	sst s3;
	s8 =	sshll.u32 s2, $0x6;
	s7 =	sshll.u32 s6, $0xA  }
0x7: {  	s4 =	sadd.s32 $0x1800, s5;
	_ =	strace $0x8000004D;
	s7 =	sor.u32 s8, s7  }
0x8: {  	s6 =	ssub.s32 $0x2, s6;
	s8 =	sshrl.u32 s7, $0x3;
	s7 =	sshll.u32 s7, $0x4  }
0x9: {  	s9 =	sshrl.u32 s6, $0x1;
	s8 =	sadd.s32 s8, s5;
	s7 =	sadd.s32 s7, s5  }
0xa: {  	s9 =	ssub.s32 s6, s9;
	s5 =	sadd.s32 $0x33200, s8;
	s6 =	sadd.s32 $0xA000, s7  }
0xb: {  	s7 =	smax.u32 s9, $0x1;
	s8 =	simm.s32 $0x2;
	s9 =	simm.s32 $0x40  }
.LBB2_1:
0xc: {  	[tilespmem:s3], [sflag:$0x2] =	stream.linear.gather [hbm4b:s5+s3], $0x40, $0x38;
	[tilespmem:$0x4080] =	vst v63  }
0xd: {  	_ =	swait.ge [sflag:s8], $0x40  }
0xe: {  	[sflag:s8] =	ssyncset.done $0x0  }
0xf: {  	[sflag:s8] =	ssyncadd.s32 $0xFFFFFFC0  }
0x10: {  	[tilespmem:s10], [sflag:$0x1] =	stream.indirect.gather [hbm4b:s4+s9], $0x80, s3, s9, $0xb8;
	[tilespmem:$0x4080] =	vst v63  }
0x11: {  	_ =	swait.ge [sflag:s11], $0x2000  }
0x12: {  	[sflag:s11] =	ssyncset.done $0x0  }
0x13: {  	[sflag:s11] =	ssyncadd.s32 $0xFFFFE000  }
0x14: {  	[tilespmem:s12], [sflag:$0x1] =	stream.indirect.gather [hbm4b:s1+s9], $0x80, s3, s9, $0xb8;
	[tilespmem:$0x4080] =	vst v63  }
0x15: {  	_ =	swait.ge [sflag:s11], $0x2000  }
0x16: {  	[sflag:s11] =	ssyncset.done $0x0  }
0x17: {  	s14 =	simm.s32 $0x0;
	[sflag:s11] =	ssyncadd.s32 $0xFFFFE000  }
0x18: {  	v6 =	vld [tilespmem:s14+$0x2080]  }
0x19: {  	v11 =	vld [tilespmem:s14+$0x2090]  }
0x1a: {  	v5 =	vld [tilespmem:s14+$0x20A0]  }
0x1b: {  	v4 =	vld [tilespmem:s14+$0x20B0]  }
0x1c: {  	v3 =	vld [tilespmem:s14+$0x20C0]  }
0x1d: {  	v2 =	vld [tilespmem:s14+$0x20D0]  }
0x1e: {  	v1 =	vld [tilespmem:s14+$0x20E0]  }
0x1f: {  	v0 =	vld [tilespmem:s14+$0x20F0]  }
0x20: {  	v12 =	vld [tilespmem:s14+$0x80]  }
0x21: {  	v13 =	vld [tilespmem:s14+$0x90]  }
0x22: {  	v10 =	vld [tilespmem:s14+$0xA0]  }
0x23: {  	v9 =	vld [tilespmem:s14+$0xB0]  }
0x24: {  	v8 =	vld [tilespmem:s14+$0xC0]  }
0x25: {  	v7 =	vld [tilespmem:s14+$0xD0];
	v12 =	vadd.f32 v6, v12  }
0x26: {  	s15 =	simm.s32 $0x200;
	v11 =	vadd.f32 v11, v13;
	v6 =	vld [tilespmem:s14+$0xE0]  }
.LBB2_2:
0x27: {  	s16 =	sshra.s32 s15, $0x2;
	p0 =	sne.s32 s15, $0x7E00;
	v12 =	vmax.f32 v12, $0.0e+00;
	v5 =	vadd.f32 v5, v10;
	v10 =	vld [tilespmem:s14+$0xF0]  }
0x28: {  	v13 =	vld [tilespmem:s16+$0x2080];
	[tilespmem:s14+$0x80] =	vst v12;
	v11 =	vmax.f32 v11, $0.0e+00;
	v4 =	vadd.f32 v4, v9  }
0x29: {  	v14 =	vld [tilespmem:s16+$0x2090];
	[tilespmem:s14+$0x90] =	vst v11;
	v9 =	vmax.f32 v5, $0.0e+00;
	v3 =	vadd.f32 v3, v8  }
0x2a: {  	v5 =	vld [tilespmem:s16+$0x20A0];
	[tilespmem:s14+$0xA0] =	vst v9;
	v8 =	vmax.f32 v4, $0.0e+00;
	v2 =	vadd.f32 v2, v7  }
0x2b: {  	v4 =	vld [tilespmem:s16+$0x20B0];
	[tilespmem:s14+$0xB0] =	vst v8;
	v7 =	vmax.f32 v3, $0.0e+00;
	v1 =	vadd.f32 v1, v6  }
0x2c: {  	v3 =	vld [tilespmem:s16+$0x20C0];
	[tilespmem:s14+$0xC0] =	vst v7;
	v6 =	vmax.f32 v2, $0.0e+00;
	v0 =	vadd.f32 v0, v10  }
0x2d: {  	v2 =	vld [tilespmem:s16+$0x20D0];
	[tilespmem:s14+$0xD0] =	vst v6;
	v6 =	vmax.f32 v1, $0.0e+00  }
0x2e: {  	v1 =	vld [tilespmem:s16+$0x20E0];
	[tilespmem:s14+$0xE0] =	vst v6;
	v6 =	vmax.f32 v0, $0.0e+00  }
0x2f: {  	v0 =	vld [tilespmem:s16+$0x20F0];
	[tilespmem:s14+$0xF0] =	vst v6;
	s14 =	smov.u32 s16  }
0x30: {  	v6 =	vld [tilespmem:s14+$0x80]  }
0x31: {  	v11 =	vld [tilespmem:s14+$0x90]  }
.Ltmp0:
0x32: {  	v10 =	vld [tilespmem:s14+$0xA0];
	(pc) =	sbr.rel @p0 .LBB2_2-.Ltmp0, $4  }
0x33: {  	v9 =	vld [tilespmem:s14+$0xB0]  }
0x34: {  	v8 =	vld [tilespmem:s14+$0xC0]  }
0x35: {  	v12 =	vadd.f32 v13, v6;
	v7 =	vld [tilespmem:s14+$0xD0]  }
0x36: {  	s15 =	sadd.s32 $0x200, s15;
	v11 =	vadd.f32 v14, v11;
	v6 =	vld [tilespmem:s14+$0xE0]  }
0x37: {  	v12 =	vmax.f32 v12, $0.0e+00;
	v5 =	vadd.f32 v5, v10;
	v63 =	vld [tilespmem:s14+$0xF0]  }
0x38: {  	[tilespmem:s14+$0x80] =	vst v12;
	v11 =	vmax.f32 v11, $0.0e+00;
	v4 =	vadd.f32 v4, v9  }
0x39: {  	[tilespmem:s14+$0x90] =	vst v11;
	v5 =	vmax.f32 v5, $0.0e+00;
	v3 =	vadd.f32 v3, v8  }
0x3a: {  	[tilespmem:s14+$0xA0] =	vst v5;
	v4 =	vmax.f32 v4, $0.0e+00;
	v2 =	vadd.f32 v2, v7  }
0x3b: {  	[tilespmem:s14+$0xB0] =	vst v4;
	v3 =	vmax.f32 v3, $0.0e+00;
	v1 =	vadd.f32 v1, v6  }
0x3c: {  	[tilespmem:s14+$0xC0] =	vst v3;
	v2 =	vmax.f32 v2, $0.0e+00;
	v0 =	vadd.f32 v0, v63  }
0x3d: {  	s13 =	sadd.s32 $0x1, s13;
	[tilespmem:s14+$0xD0] =	vst v2;
	v1 =	vmax.f32 v1, $0.0e+00  }
0x3e: {  	p0 =	sne.s32 s13, s7;
	[tilespmem:s14+$0xE0] =	vst v1;
	v0 =	vmax.f32 v0, $0.0e+00  }
.Ltmp1:
0x3f: {  	[tilespmem:s14+$0xF0] =	vst v0;
	(pc) =	sbr.rel @p0 .LBB2_1-.Ltmp1, $4  }
0x40: {  	[hbm4b:s6+s3] =	stream.linear.scatter [tilespmem:s10], [sflag:$0x2], $0x2000, $0x38;
	[tilespmem:$0x4080] =	vst v63  }
0x41: {  	_ =	swait.ge [sflag:s8], $0x2000  }
0x42: {  	[sflag:s8] =	ssyncset.done $0x0  }
0x43: {  	[sflag:s8] =	ssyncadd.s32 $0xFFFFE000  }
0x44: {  	_ =	sfence.sel $0x180000  }
0x45: {  	[bflag:$0x0] =	sbarrier.arrive $0xFFFF  }
0x46: {  	p0 =	sne.s32 s2, $0x0;
	_ =	strace $0x9000004D  }
0x47: {  	s0 =	sadd.s32 @!p0 $0x100000, s0;
	[bflag:$0x2] =	sbarrier.arrive $0xFFFF  }
0x48: {  	[sflag:s0] =	ssyncadd.tile.s32 @!p0 $0x1;
	_ =	shalt  }
.Lfunc_end2:
_tile_overlayer_lowered:
.L_overlay_start_2:
0x49: {  	(tag) =	ssettag $0x2  }
0x4a: {  	s0 =	rddreg [dreg:$0x0];
	s2 =	stileid.u32  }
0x4b: {  	s1 =	rddreg [dreg:$0x1];
	p0 =	sne.s32 s2, $0x0  }
0x4c: {  	s3 =	rddreg [dreg:$0x2];
	[bflag:$0x3] =	sbarrier.arrive $0xFFFF;
	s2 =	simm.s32 @!p0 $0x1C02  }
0x4d: {  	[timem:s3], [sflag:s2] =	dma.local @!p0 [hbm:s0], s1  }
0x4e: {  	s0 =	simm.s32 @!p0 $0x2  }
0x4f: {  	_ =	swait.ge @!p0 [sflag:s0], s1  }
0x50: {  	s1 =	ssub.s32 @!p0 $0x0, s1;
	[sflag:s0] =	ssyncset.done @!p0 $0x0  }
0x51: {  	[sflag:s0] =	ssyncadd.s32 @!p0 s1  }
0x52: {  	[bflag:$0x3] =	sbarrier.arrive $0xFFFF  }
0x53: {  	_ =	shalt  }

// kernel: kernel.8.cloned.1.call-start
scs
__scs_entry_jumppad:
0x0: {  	(pc) =	sbr.rel $0x88, $3  }
0x1: {  	(tag) =	ssettag $0x0;
	lr =	simm.s32 $0x1  }
0x2: {  	[smem:$0x3F9C] =	sst lr;
	_ =	strace $0xD0000000  }
0x3: {  	_ = 	snop  }
0x4: {  	_ = 	snop  }
0x5: {  	_ = 	snop  }
0x6: {  	_ = 	snop  }
0x7: {  	_ = 	snop  }
__scs_overlays_trampoline_lowered:
0x8: {  	[smem:$0x3FAB] =	sst s0  }
0x9: {  	[smem:$0x3FAC] =	sst s1  }
0xa: {  	[smem:$0x3FAD] =	sst s2  }
0xb: {  	[smem:$0x3FAE] =	sst s3  }
0xc: {  	[smem:$0x3FAF] =	sst s4  }
0xd: {  	[smem:$0x3FB0] =	sst s5  }
0xe: {  	[smem:$0x3FB1] =	sst s6  }
0xf: {  	[smem:$0x3FB2] =	sst s7  }
0x10: {  	[smem:$0x3FB3] =	sst s8  }
0x11: {  	[smem:$0x3FB4] =	sst s9;
	s0 =	simm.s32 @!p0 $0x0  }
0x12: {  	s1 =	sld [smem:$0x3F9A];
	s0 =	simm.s32 @p0 $0x1  }
0x13: {  	[smem:$0x3FB5] =	sst s0;
	s0 =	simm.s32 @!p1 $0x0  }
0x14: {  	s2 =	sld [smem:$0x3F99];
	s0 =	simm.s32 @p1 $0x1  }
0x15: {  	[smem:$0x3FB6] =	sst s0;
	s0 =	simm.s32 @!p2 $0x0  }
0x16: {  	s3 =	sld [smem:$0x3FDB];
	s0 =	simm.s32 @p2 $0x1  }
0x17: {  	s4 =	simm.s32 $0x1BF5;
	[smem:$0x3FB8] =	sst s0  }
0x18: {  	s0 =	sld [smem:$0x3F9B];
	_ =	swait.ge [sflag:s4], $0x0  }
0x19: {  	s7 =	sld [smem:$0x3F9C]  }
0x1a: {  	s8 =	sadd.s32 $0xFFFFE003, lr  }
0x1b: {  	s9 =	sadd.s32 $0xFFFFFEF7, lr;
	s5 =	simm.s32 $0xFFFFFFFF;
	p2 =	slt.u32 s8, $0xFFFFF086  }
0x1c: {  	p1 =	slt.u32 s9, $0xF7A;
	s5 =	simm.s32 @!p2 $0x0  }
0x1d: {  	s5 =	simm.s32 @p1 $0x1;
	p0 =	seq.s32 s7, s2  }
0x1e: {  	s7 =	smul.u32 @!p0 $0xF7A, s2;
	p2 =	seq.s32 @!p0 s5, $0x0  }
0x1f: {  	s9 =	smul.u32 $0xF7A, s1;
	s8 =	simm.s32 @!p0 $0x1BF5;
	p2 =	por !p2, p0  }
0x20: {  	[sflag:s8] =	ssyncset.s32 @!p0 $0xFFFFF086;
	s6 =	sadd.s32 @!p0 s3, s7;
	s7 =	simm.s32 @!p0 $0x108  }
0x21: {  	s3 =	sadd.s32 s3, s9;
	s6 =	sadd.s32 @!p0 $0x88, s6;
	s7 =	simm.s32 @p2 $0x1082  }
0x22: {  	[simem:s7], [sflag:s8] =	dma.local @!p0 [hbm:s6], $0xF7A  }
0x23: {  	s9 =	sor.u32 $0xD0000000, s2;
	s6 =	simm.s32 $0x108;
	_ =	swait.ge @!p0 [sflag:s8], $0x0  }
0x24: {  	s3 =	sadd.s32 $0x88, s3;
	s6 =	simm.s32 @!p1 $0x1082;
	[sflag:s4] =	ssyncset.s32 $0xFFFFF086  }
0x25: {  	[simem:s6], [sflag:s4] =	dma.local [hbm:s3], $0xF7A  }
0x26: {  	[smem:$0x3F9C] =	sst s1;
	(tag) =	ssettag s2;
	_ =	strace s9  }
0x27: {  	s1 =	sld [smem:$0x3FAC]  }
0x28: {  	s2 =	sld [smem:$0x3FAD]  }
0x29: {  	s4 =	sld [smem:$0x3FAF]  }
0x2a: {  	p0 =	seq.s32 s5, $0x0;
	s5 =	sld [smem:$0x3FB0]  }
0x2b: {  	s6 =	sld [smem:$0x3FB1]  }
0x2c: {  	s7 =	sld [smem:$0x3FB2]  }
0x2d: {  	s3 =	simm.s32 $0x108;
	s8 =	sld [smem:$0x3FB3]  }
0x2e: {  	s3 =	simm.s32 @!p0 $0x1082;
	s9 =	sld [smem:$0x3FB4]  }
0x2f: {  	lr =	sadd.s32 s0, s3;
	s0 =	sld [smem:$0x3FAB]  }
0x30: {  	s3 =	sld [smem:$0x3FAE]  }
0x31: {  	[smem:$0x3FB7] =	sst s10  }
0x32: {  	s10 =	sld [smem:$0x3FB5];
	_ =	sdelay $0x3  }
0x33: {  	p0 =	seq.s32 s10, $0x1;
	s10 =	sld [smem:$0x3FB7];
	_ =	sdelay $0x3  }
0x34: {  	[smem:$0x3FB7] =	sst s10  }
0x35: {  	s10 =	sld [smem:$0x3FB6];
	_ =	sdelay $0x3  }
0x36: {  	p1 =	seq.s32 s10, $0x1;
	s10 =	sld [smem:$0x3FB7];
	_ =	sdelay $0x3  }
0x37: {  	[smem:$0x3FB7] =	sst s10  }
0x38: {  	s10 =	sld [smem:$0x3FB8]  }
0x39: {  	_ = 	snop;
	(pc) =	sbr.ind lr, $3  }
0x3a: {  	_ = 	snop  }
0x3b: {  	_ = 	snop  }
0x3c: {  	p2 =	seq.s32 s10, $0x1;
	s10 =	sld [smem:$0x3FB7]  }
0x3d: {  	_ =	shalt  }
0x3e: {  	_ =	shalt  }
0x3f: {  	_ =	shalt  }
0x40: {  	_ =	shalt  }
0x41: {  	_ =	shalt  }
0x42: {  	_ =	shalt  }
0x43: {  	_ =	shalt  }
0x44: {  	_ =	shalt  }
0x45: {  	_ =	shalt  }
0x46: {  	_ =	shalt  }
0x47: {  	_ =	shalt  }
0x48: {  	_ =	shalt  }
0x49: {  	_ =	shalt  }
0x4a: {  	_ =	shalt  }
0x4b: {  	_ =	shalt  }
0x4c: {  	_ =	shalt  }
0x4d: {  	_ =	shalt  }
0x4e: {  	_ =	shalt  }
0x4f: {  	_ =	shalt  }
0x50: {  	_ =	shalt  }
0x51: {  	_ =	shalt  }
0x52: {  	_ =	shalt  }
0x53: {  	_ =	shalt  }
0x54: {  	_ =	shalt  }
0x55: {  	_ =	shalt  }
0x56: {  	_ =	shalt  }
0x57: {  	_ =	shalt  }
0x58: {  	_ =	shalt  }
0x59: {  	_ =	shalt  }
0x5a: {  	_ =	shalt  }
0x5b: {  	_ =	shalt  }
0x5c: {  	_ =	shalt  }
0x5d: {  	_ =	shalt  }
0x5e: {  	_ =	shalt  }
0x5f: {  	_ =	shalt  }
0x60: {  	_ =	shalt  }
0x61: {  	_ =	shalt  }
0x62: {  	_ =	shalt  }
0x63: {  	_ =	shalt  }
0x64: {  	_ =	shalt  }
0x65: {  	_ =	shalt  }
0x66: {  	_ =	shalt  }
0x67: {  	_ =	shalt  }
0x68: {  	_ =	shalt  }
0x69: {  	_ =	shalt  }
0x6a: {  	_ =	shalt  }
0x6b: {  	_ =	shalt  }
0x6c: {  	_ =	shalt  }
0x6d: {  	_ =	shalt  }
0x6e: {  	_ =	shalt  }
0x6f: {  	_ =	shalt  }
0x70: {  	_ =	shalt  }
0x71: {  	_ =	shalt  }
0x72: {  	_ =	shalt  }
0x73: {  	_ =	shalt  }
0x74: {  	_ =	shalt  }
0x75: {  	_ =	shalt  }
0x76: {  	_ =	shalt  }
0x77: {  	_ =	shalt  }
0x78: {  	_ =	shalt  }
0x79: {  	_ =	shalt  }
0x7a: {  	_ =	shalt  }
0x7b: {  	_ =	shalt  }
0x7c: {  	_ =	shalt  }
0x7d: {  	_ =	shalt  }
0x7e: {  	_ =	shalt  }
0x7f: {  	_ =	shalt  }
0x80: {  	_ =	shalt  }
0x81: {  	_ =	shalt  }
0x82: {  	_ =	shalt  }
0x83: {  	_ =	shalt  }
0x84: {  	_ =	shalt  }
0x85: {  	_ =	shalt  }
0x86: {  	_ =	shalt  }
0x87: {  	_ =	shalt  }
.Lfunc_end0:
.L_simem_size_0:
called_computation_lowered:
.L_overlay_start_0:
0x88: {  	s2 =	sld [smem:$0x3FD9]  }
0x89: {  	s3 =	sld [smem:$0x3FFE];
	_ =	sdelay $0x1  }
0x8a: {  	s1 =	srdreg.scid  }
0x8b: {  	s0 =	sand.u32 $0x1, s1  }
0x8c: {  	s17 =	sshll.u32 s0, $0xA;
	s2 =	sadd.s32 s3, s2  }
0x8d: {  	s2 =	sadd.s32 s2, s17  }
0x8e: {  	[smem:$0x3FC3] =	sst s2  }
0x8f: {  	_ = 	snop  }
0x90: {  	s2 =	sld [smem:$0x3FD0];
	(tm) =	ssettm $0x1  }
0x91: {  	s18 =	sld [smem:$0x3FFB];
	_ =	sdelay $0x3  }
0x92: {  	_ =	strace s18  }
0x93: {  	s3 =	sld [smem:$0x3FFC];
	_ =	sdelay $0x3  }
0x94: {  	_ =	strace s3  }
0x95: {  	s3 =	sld [smem:$0x3FFD];
	_ =	sdelay $0x3  }
0x96: {  	_ =	strace s3  }
0x97: {  	_ =	strace $0x8FFFFFFF  }
0x98: {  	s19 =	sld [smem:$0x3FDB];
	_ =	sdelay $0x1  }
0x99: {  	s4 =	simm.s32 $_scs_section_size  }
0x9a: {  	s5 =	simm.s32 $_size__tile_overlayer_lowered;
	s6 =	simm.s32 $_tile_overlayer_lowered  }
0x9b: {  	s22 =	simm.s32 $0x1BFF;
	s21 =	sshll.u32 s6, $0x1;
	s3 =	sadd.s32 s4, s19  }
0x9c: {  	s7 =	simm.s32 $0x0;
	s20 =	sshll.u32 s5, $0x1;
	s5 =	sadd.s32 s21, s3  }
0x9d: {  	[timem:s7], [sflag:s22] =	dma.local [hbm:s5], s20  }
0x9e: {  	_ =	swait.ge [sflag:s22], s20  }
0x9f: {  	s4 =	ssub.s32 $0x0, s20;
	[sflag:s22] =	ssyncset.done $0x0  }
0xa0: {  	[sflag:s22] =	ssyncadd.s32 s4;
	_ =	sdelay $0x1  }
0xa1: {  	s23 =	simm.s32 $0x1B8B  }
0xa2: {  	_ =	swait.ge [sflag:s23], $0x1  }
0xa3: {  	[sflag:s23] =	ssyncset.done $0x0  }
0xa4: {  	s25 =	simm.s32 $0x1B8E;
	s24 =	sld [smem:$0x3FFE];
	[sflag:s23] =	ssyncadd.s32 $0xFFFFFFFF  }
0xa5: {  	s26 =	simm.s32 $execute0_lowered;
	[smem:$0x3FD2] =	sst s25  }
0xa6: {  	s5 =	sshll.u32 s26, $0x1;
	_ =	strace $0x80000046;
	[dreg:$0x1] =	wrdreg $0xFFFFFFFF  }
0xa7: {  	s28 =	simm.s32 $_size_execute0_lowered;
	s3 =	sadd.s32 s3, s5;
	[dreg:$0x0] =	wrdreg $0x0  }
0xa8: {  	s5 =	sshll.u32 s28, $0x1;
	[dreg:$0x2] =	wrdreg s3  }
0xa9: {  	[dreg:$0x3] =	wrdreg s5  }
0xaa: {  	[dreg:$0x4] =	wrdreg $0xC0  }
0xab: {  	_ =	task [dreg:s7], $0x5FFFF  }
0xac: {  	[dreg:$0x1] =	wrdreg $0xFFFFFFFF  }
0xad: {  	[dreg:$0x0] =	wrdreg $0x60  }
0xae: {  	[dreg:$0x2] =	wrdreg s24  }
0xaf: {  	[dreg:$0x3] =	wrdreg s2  }
0xb0: {  	[dreg:$0x4] =	wrdreg $0xA8000  }
0xb1: {  	[dreg:$0x5] =	wrdreg $0x9  }
0xb2: {  	_ =	task.clear_ibuf [dreg:s7], $0x6FFFF;
	_ =	strace $0x90000046  }
0xb3: {  	s29 =	simm.s32 $0x9;
	_ =	strace $0x80000048  }
0xb4: {  	_ =	swait.ge [sflag:s29], $0x1  }
0xb5: {  	[sflag:s29] =	ssyncadd.s32 $0xFFFFFFFF  }
0xb6: {  	_ =	strace $0x90000048  }
0xb7: {  	_ =	sfence  }
0xb8: {  	s30 =	sld [smem:$0x0];
	_ =	sdelay $0x2  }
0xb9: {  	s31 =	sshll.u32 s1, $0xD;
	s1 =	sshrl.u32 s1, $0x2  }
0xba: {  	s3 =	sand.u32 $0x4000, s31;
	s1 =	sadd.s32 s1, s30  }
0xbb: {  	s0 =	sor.u32 s3, s0;
	s1 =	sshll.u32 s1, $0x11  }
0xbc: {  	s0 =	sor.u32 s1, s0  }
0xbd: {  	s0 =	sadd.s32 $0x8F2B, s0  }
0xbe: {  	[sflag:s0] =	ssyncadd.remote.s32 $0x1  }
0xbf: {  	_ =	sfence.sel $0xFFFF  }
0xc0: {  	[dreg:$0x0] =	wrdreg $0xFFFFFFFF;
	(pc) =	sbr.abs _section_cstart, $3  }
0xc1: {  	[dreg:$0x1] =	wrdreg $0xFFFFFFFF  }
0xc2: {  	_ =	task.clear_ibuf [dreg:s7], $0x2FFFF;
	_ =	strace $0x9FFFFFFF  }
0xc3: {  	(tm) =	ssettm $0x7FFFFFFF  }
tec
execute0_lowered:
.L_overlay_start_1:
0x0: {  	(tag) =	ssettag $0x1  }
0x1: {  	s5 =	rddreg [dreg:$0x0]  }
0x2: {  	s9 =	rddreg [dreg:$0x1]  }
0x3: {  	s1 =	rddreg [dreg:$0x2]  }
0x4: {  	s0 =	rddreg [dreg:$0x3];
	s3 =	simm.s32 $0x0;
	s4 =	srdreg.scid  }
0x5: {  	s2 =	stileid.u32;
	s15 =	simm.s32 $0x8000;
	s16 =	simm.s32 $0x1  }
0x6: {  	[smem:$0x7FF] =	sst s3;
	s7 =	sand.u32 $0x1, s4;
	s8 =	sshll.u32 s2, $0xB  }
0x7: {  	s4 =	sadd.s32 $0x21800, s5;
	s11 =	smul.u32 $0x4F000, s2;
	s31 =	sshll.u32 s2, $0x6  }
0x8: {  	s18 =	smul.u32 $0x2780, s2;
	_ =	strace $0x80000047;
	s6 =	sshll.u32 s7, $0xF  }
0x9: {  	s28 =	ssub.s32 $0x2, s7;
	s13 =	smul.u32 $0x27800, s7;
	s6 =	sor.u32 s8, s6  }
0xa: {  	s29 =	sshrl.u32 s28, $0x1;
	s30 =	sshrl.u32 s11, $0x2;
	s8 =	sor.u32 $0x1C03, s31  }
0xb: {  	s10 =	sadd.s32 s6, s5;
	s5 =	sadd.s32 $0x49000, s5;
	s12 =	ssub.s32 s28, s29  }
0xc: {  	s14 =	sadd.s32 s30, s1;
	s17 =	sadd.s32 s9, s13;
	s13 =	simm.s32 $0x2  }
0xd: {  	s6 =	sadd.s32 $0x1800, s10;
	s7 =	sadd.s32 $0x11800, s10;
	s9 =	smax.u32 s12, $0x1  }
0xe: {  	s10 =	simm.s32 $0x4000;
	s11 =	sshrl.u32 s14, $0x3;
	s12 =	simm.s32 $0x3  }
0xf: {  	s14 =	simm.s32 $0x50;
	s17 =	sadd.s32 s18, s17;
	s18 =	simm.s32 $0x0  }
.LBB2_1:
0x10: {  	[tilespmem:s3], [sflag:$0x2] =	stream.linear.gather [hbm4b:s6+s3], $0x3E80, $0x38;
	[tilespmem:$0x1E400] =	vst v63  }
0x11: {  	_ = 	snop  }
0x12: {  	[tilespmem:s10], [sflag:$0x2] =	stream.linear.gather [hbm4b:s7+s3], $0x3E80, $0x38;
	[tilespmem:$0x1E400] =	vst v63  }
0x13: {  	[spmem:s11], [sflag:s8] =	dma.local [hbm:s5], $0x2780  }
0x14: {  	_ =	swait.ge [sflag:s12], $0x2780  }
0x15: {  	[sflag:s12] =	ssyncset.done $0x0  }
0x16: {  	[sflag:s12] =	ssyncadd.s32 $0xFFFFD880  }
0x17: {  	_ =	swait.ge [sflag:s13], $0x3E80  }
0x18: {  	[sflag:s13] =	ssyncset.done $0x0  }
0x19: {  	[sflag:s13] =	ssyncadd.s32 $0xFFFFC180  }
0x1a: {  	_ =	swait.ge [sflag:s13], $0x3E80  }
0x1b: {  	[sflag:s13] =	ssyncset.done $0x0  }
0x1c: {  	[sflag:s13] =	ssyncadd.s32 $0xFFFFC180  }
0x1d: {  	s19 =	simm.s32 $0x0;
	[bflag:$0x0] =	sbarrier.arrive $0xFFFF  }
0x1e: {  	[tilespmem:s15], [sflag:$0x1] =	stream.indirect.gather [hbm4b:s4+s14], $0x80, s19, s14, $0xb8;
	[tilespmem:$0x1E400] =	vst v63  }
0x1f: {  	_ =	swait.ge [sflag:s16], $0x2800  }
0x20: {  	[sflag:s16] =	ssyncset.done $0x0  }
0x21: {  	s31 =	simm.s32 $0x4000;
	[sflag:s16] =	ssyncadd.s32 $0xFFFFD800  }
0x22: {  	[spmem:s1] =	stream.indirect.scatter.add.f32 [tilespmem:s15], [sflag:$0x3], $0x80, s31, s14, $0xb8;
	[tilespmem:$0x1E400] =	vst v63  }
0x23: {  	_ =	swait.ge [sflag:s12], $0x2800  }
0x24: {  	s20 =	simm.s32 $0x400;
	s19 =	simm.s32 $0x200;
	[sflag:s12] =	ssyncset.done $0x0  }
.LBB2_2:
0x25: {  	s21 =	sshra.s32 s19, $0x2  }
0x26: {  	[sflag:s12] =	ssyncadd.s32 $0xFFFFD800;
	s19 =	smov.u32 s20;
	s22 =	sadd.s32 $0x200, s20  }
0x27: {  	[tilespmem:s15], [sflag:$0x1] =	stream.indirect.gather [hbm4b:s4+s14], $0x80, s21, s14, $0xb8;
	[tilespmem:$0x1E400] =	vst v63  }
0x28: {  	p0 =	sne.s32 s20, $0xF800;
	_ =	swait.ge [sflag:s16], $0x2800  }
.Ltmp0:
0x29: {  	[sflag:s16] =	ssyncset.done $0x0;
	(pc) =	sbr.rel @p0 .LBB2_2-.Ltmp0, $4  }
0x2a: {  	s20 =	sadd.s32 $0x4000, s21;
	[sflag:s16] =	ssyncadd.s32 $0xFFFFD800  }
0x2b: {  	[spmem:s1] =	stream.indirect.scatter.add.f32 [tilespmem:s15], [sflag:$0x3], $0x80, s20, s14, $0xb8;
	[tilespmem:$0x1E400] =	vst v63  }
0x2c: {  	_ =	swait.ge [sflag:s12], $0x2800  }
0x2d: {  	s20 =	smov.u32 s22;
	[sflag:s12] =	ssyncset.done $0x0  }
0x2e: {  	s19 =	sshra.s32 s19, $0x2;
	[sflag:s12] =	ssyncadd.s32 $0xFFFFD800  }
0x2f: {  	[tilespmem:s15], [sflag:$0x1] =	stream.indirect.gather [hbm4b:s4+s14], $0x80, s19, s14, $0xb8;
	[tilespmem:$0x1E400] =	vst v63  }
0x30: {  	_ =	swait.ge [sflag:s16], $0x2800  }
0x31: {  	[sflag:s16] =	ssyncset.done $0x0  }
0x32: {  	s19 =	sadd.s32 $0x4000, s19;
	[sflag:s16] =	ssyncadd.s32 $0xFFFFD800  }
0x33: {  	[spmem:s1] =	stream.indirect.scatter.add.f32 [tilespmem:s15], [sflag:$0x3], $0x80, s19, s14, $0xb8;
	[tilespmem:$0x1E400] =	vst v63  }
0x34: {  	_ =	swait.ge [sflag:s12], $0x2800  }
0x35: {  	s18 =	sadd.s32 $0x1, s18;
	[sflag:s12] =	ssyncset.done $0x0  }
0x36: {  	p0 =	sne.s32 s18, s9;
	[sflag:s12] =	ssyncadd.s32 $0xFFFFD800  }
.Ltmp1:
0x37: {  	[bflag:$0x0] =	sbarrier.arrive $0xFFFF;
	(pc) =	sbr.rel @p0 .LBB2_1-.Ltmp1, $4  }
0x38: {  	[hbm:s17], [sflag:s8] =	dma.local [spmem:s11], $0x2780  }
0x39: {  	_ =	swait.ge [sflag:s12], $0x2780  }
0x3a: {  	[sflag:s12] =	ssyncset.done $0x0  }
0x3b: {  	[sflag:s12] =	ssyncadd.s32 $0xFFFFD880  }
0x3c: {  	_ =	sfence.sel $0x180000  }
0x3d: {  	[bflag:$0x0] =	sbarrier.arrive $0xFFFF  }
0x3e: {  	p0 =	sne.s32 s2, $0x0;
	_ =	strace $0x90000047  }
0x3f: {  	s0 =	sadd.s32 @!p0 $0x100000, s0;
	[bflag:$0x2] =	sbarrier.arrive $0xFFFF  }
0x40: {  	[sflag:s0] =	ssyncadd.tile.s32 @!p0 $0x1;
	_ =	shalt  }
.Lfunc_end2:
_tile_overlayer_lowered:
.L_overlay_start_2:
0x41: {  	(tag) =	ssettag $0x2  }
0x42: {  	s0 =	rddreg [dreg:$0x0];
	s2 =	stileid.u32  }
0x43: {  	s1 =	rddreg [dreg:$0x1];
	p0 =	sne.s32 s2, $0x0  }
0x44: {  	s3 =	rddreg [dreg:$0x2];
	[bflag:$0x3] =	sbarrier.arrive $0xFFFF;
	s2 =	simm.s32 @!p0 $0x1C03  }
0x45: {  	[timem:s3], [sflag:s2] =	dma.local @!p0 [hbm:s0], s1  }
0x46: {  	s0 =	simm.s32 @!p0 $0x3  }
0x47: {  	_ =	swait.ge @!p0 [sflag:s0], s1  }
0x48: {  	s1 =	ssub.s32 @!p0 $0x0, s1;
	[sflag:s0] =	ssyncset.done @!p0 $0x0  }
0x49: {  	[sflag:s0] =	ssyncadd.s32 @!p0 s1  }
0x4a: {  	[bflag:$0x3] =	sbarrier.arrive $0xFFFF  }
0x4b: {  	_ =	shalt  }

</sc_bundles>
